<compile_context>
chip_gen: v7x
topology: tpu7x:2x2x1
jax: 0.10.2.dev20260603
libtpu: 0.0.44.dev20260713+nightly
codegen_flags: <defaults>
</compile_context>

<pallas_src>
import functools

import jax
import jax.numpy as jnp
from jax import lax
from jax.experimental import pallas as pl
from jax.experimental.pallas import tpu as pltpu
from jax.experimental.pallas import tpu_sc as plsc

_LANES = 16
_NWORK = 32
_RBLK = 2048


def _matvec_body(z_ref, w_ref, b_ref, out_ref):
    boost = b_ref[0, 0] / _LANES
    w = w_ref[...]
    for j in range(_RBLK // 128):
        zsub = z_ref[pl.ds(j * 128, 128), :]
        r = lax.dot_general(w, zsub, (((1,), (1,)), ((), ())),
                            preferred_element_type=jnp.float32)
        out_ref[pl.ds(j, 1), :] = r + boost


def _row_dot_full(z, W, b):
    n, d = z.shape
    nstep = -(-n // _RBLK)
    nrow = nstep * _RBLK // 128
    return pl.pallas_call(
        _matvec_body,
        grid=(nstep,),
        in_specs=[
            pl.BlockSpec((_RBLK, d), lambda i: (i, 0)),
            pl.BlockSpec((1, d), lambda i: (0, 0)),
            pl.BlockSpec((1, 1), lambda i: (0, 0)),
        ],
        out_specs=pl.BlockSpec((_RBLK // 128, 128), lambda i: (i, 0)),
        out_shape=jax.ShapeDtypeStruct((nrow, 128), jnp.float32),
    )(z, W, b.reshape(1, 1))


@functools.lru_cache(maxsize=None)
def _make_sc_gather(n_rows, n_nbr, s_len):
    assert n_rows % _LANES == 0
    groups = n_rows // _LANES
    q, rem = divmod(groups, _NWORK)
    gmax = q + (1 if rem else 0)
    rows_base = q * _LANES

    mesh = plsc.VectorSubcoreMesh(core_axis_name="c", subcore_axis_name="s")

    @functools.partial(
        pl.kernel,
        out_type=jax.ShapeDtypeStruct((n_rows,), jnp.float32),
        mesh=mesh,
        compiler_params=pltpu.CompilerParams(needs_layout_passes=False),
        scratch_types=[
            pltpu.VMEM((s_len + 8,), jnp.float32),
            pltpu.VMEM((gmax * _LANES * n_nbr,), jnp.int32),
            pltpu.VMEM((gmax * _LANES,), jnp.float32),
            pltpu.VMEM((_LANES,), jnp.float32),
            pltpu.SemaphoreType.DMA,
        ],
    )
    def sc_gather(s_hbm, nbr_hbm, b_hbm, out_hbm, s_v, nbr_v, out_v, b_v, sem):
        nc = mesh.num_cores
        w = lax.axis_index("s") * nc + lax.axis_index("c")
        has_extra = w < rem
        ng = jnp.where(has_extra, q + 1, q)
        base_g = q * w + jnp.minimum(w, rem)
        idx0 = base_g * _LANES * n_nbr
        nbase = rows_base * n_nbr
        row0 = base_g * _LANES

        pltpu.sync_copy(b_hbm, b_v)
        s_v[pl.ds(0, _LANES)] = b_v[...] * (1.0 / _LANES)

        scp = pltpu.async_copy(s_hbm, s_v.at[pl.ds(8, s_len)], sem)
        nfull = nbase + _LANES * n_nbr

        @pl.when(has_extra)
        def _():
            pltpu.async_copy(nbr_hbm.at[pl.ds(idx0, nfull)],
                             nbr_v.at[pl.ds(0, nfull)], sem).wait()

        @pl.when(jnp.logical_not(has_extra))
        def _():
            pltpu.async_copy(nbr_hbm.at[pl.ds(idx0, nbase)],
                             nbr_v.at[pl.ds(0, nbase)], sem).wait()

        scp.wait()

        lanevec = lax.iota(jnp.int32, _LANES) * n_nbr

        def group_body(k, _):
            @pl.when(k < ng)
            def _():
                kbase = k * (_LANES * n_nbr)
                acc0 = jnp.zeros((_LANES,), jnp.float32)
                acc1 = jnp.zeros((_LANES,), jnp.float32)
                for j in range(0, n_nbr, 2):
                    nidx0 = plsc.load_gather(nbr_v, [lanevec + (kbase + j)])
                    nidx1 = plsc.load_gather(nbr_v, [lanevec + (kbase + j + 1)])
                    acc0 = acc0 + plsc.load_gather(s_v, [nidx0 + 7])
                    acc1 = acc1 + plsc.load_gather(s_v, [nidx1 + 7])
                out_v[pl.ds(k * _LANES, _LANES)] = jnp.maximum(acc0 + acc1, 0.0)
            return 0

        lax.fori_loop(0, gmax, group_body, 0)

        @pl.when(has_extra)
        def _():
            pltpu.sync_copy(out_v.at[pl.ds(0, rows_base + _LANES)],
                            out_hbm.at[pl.ds(row0, rows_base + _LANES)])

        @pl.when(jnp.logical_not(has_extra))
        def _():
            pltpu.sync_copy(out_v.at[pl.ds(0, rows_base)],
                            out_hbm.at[pl.ds(row0, rows_base)])

    return sc_gather


def kernel(z, neighbor, W, b):
    n, d = z.shape
    s2d = _row_dot_full(z, W, b)
    s_flat = s2d.reshape(-1)
    b16 = jnp.broadcast_to(b.astype(jnp.float32), (_LANES,))
    sc = _make_sc_gather(neighbor.shape[0], neighbor.shape[1], s_flat.shape[0])
    return sc(s_flat, neighbor.reshape(-1), b16)

# --- scband reference (transcript-rebuilt; emitter-appended) ---
"""Pipeline reference for scband-neigh-enco-61950608277606 (READ-ONLY COPY).

The authoritative reference and input builder live on the scoring server;
editing this copy changes nothing except your own understanding.
"""

import jax, jax.numpy as jnp
import numpy as np


def setup_inputs(seed: int = 0) -> dict:
    key = jax.random.key(seed)
    k1, k2, k3 = jax.random.split(key, 3)
    z = jax.random.normal(k1, (10000, 256), dtype=jnp.float32)
    # neighbor values in [0, 10001): index 0 hits the zero-holder row, 1..10000 hit z rows
    neighbor = jax.random.randint(k2, (10000, 16), 0, 10001, dtype=jnp.int32)
    # Linear(out_channels=256 -> 1); torch init: uniform_(weight, 0.2, 0.8), default bias
    W = jax.random.uniform(k3, (1, 256), dtype=jnp.float32, minval=0.2, maxval=0.8)
    b = jnp.zeros((1,), dtype=jnp.float32)
    return {"z": z, "neighbor": neighbor, "W": W, "b": b}


def reference(z, neighbor, W, b):
    # z_ = cat([zero_holder, z]); detach -> stop_gradient
    zero_holder = jnp.zeros((1, z.shape[1]), dtype=z.dtype)
    z_ = jax.lax.stop_gradient(jnp.concatenate([zero_holder, z], axis=0))
    n, l = neighbor.shape
    flat_idx = neighbor.reshape(-1)
    x = jnp.take(z_, flat_idx, axis=0)          # embedding gather
    x = x.reshape(n, l, x.shape[1])
    x = jnp.sum(x, axis=1)                      # sum over neighbors
    x = x @ W.T + b                             # Linear(out_channels -> 1)
    x = x.reshape(-1)
    x = jax.nn.relu(x)
    return x

if __name__ == "__main__":
    import jax
    _d = setup_inputs()
    print(jax.jit(kernel)(*tuple(_d.values())))

</pallas_src>

<mosaic_0001>
#map = affine_map<(d0, d1) -> (0)>
module attributes {stable_mosaic.version = 14 : i64} {
  func.func @sc_gather(%arg0: i32, %arg1: i32, %arg2: memref<10240xf32, #tpu.memory_space<hbm>>, %arg3: memref<160000xi32, #tpu.memory_space<hbm>>, %arg4: memref<16xf32, #tpu.memory_space<hbm>>, %arg5: memref<10000xf32, #tpu.memory_space<hbm>>, %arg6: memref<10248xf32, #tpu.memory_space<vmem>>, %arg7: memref<5120xi32, #tpu.memory_space<vmem>>, %arg8: memref<320xf32, #tpu.memory_space<vmem>>, %arg9: memref<16xf32, #tpu.memory_space<vmem>>, %arg10: memref<!tpu.dma_semaphore, #tpu.memory_space<semaphore_mem>>) attributes {dimension_semantics = [#tpu.dimension_semantics<core_parallel>, #tpu.dimension_semantics<subcore_parallel>], iteration_bounds = array<i64: 2, 16>, scalar_prefetch = 0 : i64, scratch_operands = 5 : i64, tpu.core_type = #tpu.core_type<sc_vector_subcore>, window_params = [{transform_indices = #map}, {transform_indices = #map}, {transform_indices = #map}, {transform_indices = #map}]} {
    %mul3A = arith.constant 2 : i32
    %mul3A_0 = arith.muli %arg1, %mul3A : i32
    %add3A = arith.addi %mul3A_0, %arg0 : i32
    %lt3A = arith.constant 17 : i32
    %lt3A_1 = arith.cmpi slt, %add3A, %lt3A : i32
    %jit3A = arith.constant 20 : i32
    %jit3A_2 = arith.constant 19 : i32
    %select_n3A = arith.select %lt3A_1, %jit3A, %jit3A_2 : i32
    %mul3A_3 = arith.constant 19 : i32
    %mul3A_4 = arith.muli %mul3A_3, %add3A : i32
    %min3A = arith.constant 17 : i32
    %min3A_5 = arith.minsi %add3A, %min3A : i32
    %add3A_6 = arith.addi %mul3A_4, %min3A_5 : i32
    %mul3A_7 = arith.constant 16 : i32
    %mul3A_8 = arith.muli %add3A_6, %mul3A_7 : i32
    %mul3A_9 = arith.constant 16 : i32
    %mul3A_10 = arith.muli %mul3A_8, %mul3A_9 : i32
    %mul3A_11 = arith.constant 16 : i32
    %mul3A_12 = arith.muli %add3A_6, %mul3A_11 : i32
    "tpu.region"() ({
      %run_scoped3A = tpu.sem_alloc : memref<!tpu.dma_semaphore, #tpu.memory_space<semaphore_mem>>
      tpu.enqueue_dma source(%arg4 : memref<16xf32, #tpu.memory_space<hbm>>) target(%arg9 : memref<16xf32, #tpu.memory_space<vmem>>) target_semaphore(%run_scoped3A : memref<!tpu.dma_semaphore, #tpu.memory_space<semaphore_mem>>)
      tpu.wait_dma2 semaphore(%run_scoped3A : memref<!tpu.dma_semaphore, #tpu.memory_space<semaphore_mem>>) src(%arg4 : memref<16xf32, #tpu.memory_space<hbm>>) dst(%arg9 : memref<16xf32, #tpu.memory_space<vmem>>)
      tpu.yield
    }) : () -> ()
    %get3A = arith.constant 0 : index
    %get3A_13 = tpu.vector_load %arg9[%get3A] {strides = array<i32>} : memref<16xf32, #tpu.memory_space<vmem>>, vector<16xf32>,
    %mul3A_14 = arith.constant 6.250000e-02 : f32
    %mul3A_15 = vector.broadcast %mul3A_14 : f32 to vector<16xf32>
    %mul3A_16 = arith.mulf %get3A_13, %mul3A_15 : vector<16xf32>
    %swap3A = arith.constant 0 : index
    %swap3A_17 = tpu.vector_load %arg6[%swap3A] {strides = array<i32>} : memref<10248xf32, #tpu.memory_space<vmem>>, vector<16xf32>,
    tpu.vector_store %arg6[%swap3A], %mul3A_16 {strides = array<i32>} : memref<10248xf32, #tpu.memory_space<vmem>>, vector<16xf32>,
    %dma_start3A = arith.constant 8 : i32
    %dma_start3A_18 = tpu.memref_slice %arg6[%dma_start3A] : memref<10248xf32, #tpu.memory_space<vmem>> -> memref<10240xf32, #tpu.memory_space<vmem>>
    %dma_start3A_19 = arith.constant 8 : i32
    %dma_start3A_20 = tpu.memref_slice %arg6[%dma_start3A_19] : memref<10248xf32, #tpu.memory_space<vmem>> -> memref<10240xf32, #tpu.memory_space<vmem>>
    tpu.enqueue_dma source(%arg2 : memref<10240xf32, #tpu.memory_space<hbm>>) target(%dma_start3A_20 : memref<10240xf32, #tpu.memory_space<vmem>>) target_semaphore(%arg10 : memref<!tpu.dma_semaphore, #tpu.memory_space<semaphore_mem>>)
    %convert_element_type3A = arith.extui %lt3A_1 : i1 to i32
    %cond3A = arith.constant 0 : i32
    %cond3A_21 = arith.cmpi ne, %convert_element_type3A, %cond3A : i32
    scf.if %cond3A_21 {
      %dma_start3A_46 = arith.constant 0 : i32
      %dma_start3A_47 = tpu.memref_slice %arg7[%dma_start3A_46] : memref<5120xi32, #tpu.memory_space<vmem>> -> memref<5120xi32, #tpu.memory_space<vmem>>
      %dma_start3A_48 = tpu.memref_slice %arg3[%mul3A_10] : memref<160000xi32, #tpu.memory_space<hbm>> -> memref<5120xi32, #tpu.memory_space<hbm>>
      %dma_start3A_49 = arith.constant 0 : i32
      %dma_start3A_50 = tpu.memref_slice %arg7[%dma_start3A_49] : memref<5120xi32, #tpu.memory_space<vmem>> -> memref<5120xi32, #tpu.memory_space<vmem>>
      %dma_start3A_51 = tpu.memref_slice %arg3[%mul3A_10] : memref<160000xi32, #tpu.memory_space<hbm>> -> memref<5120xi32, #tpu.memory_space<hbm>>
      tpu.enqueue_dma source(%dma_start3A_51 : memref<5120xi32, #tpu.memory_space<hbm>>) target(%dma_start3A_50 : memref<5120xi32, #tpu.memory_space<vmem>>) target_semaphore(%arg10 : memref<!tpu.dma_semaphore, #tpu.memory_space<semaphore_mem>>)
      %dma_wait3A_52 = arith.constant 0 : i32
      %dma_wait3A_53 = tpu.memref_slice %arg7[%dma_wait3A_52] : memref<5120xi32, #tpu.memory_space<vmem>> -> memref<5120xi32, #tpu.memory_space<vmem>>
      %dma_wait3A_54 = tpu.memref_slice %arg3[%mul3A_10] : memref<160000xi32, #tpu.memory_space<hbm>> -> memref<5120xi32, #tpu.memory_space<hbm>>
      %dma_wait3A_55 = arith.constant 0 : i32
      %dma_wait3A_56 = tpu.memref_slice %arg7[%dma_wait3A_55] : memref<5120xi32, #tpu.memory_space<vmem>> -> memref<5120xi32, #tpu.memory_space<vmem>>
      %dma_wait3A_57 = tpu.memref_slice %arg3[%mul3A_10] : memref<160000xi32, #tpu.memory_space<hbm>> -> memref<5120xi32, #tpu.memory_space<hbm>>
      tpu.wait_dma2 semaphore(%arg10 : memref<!tpu.dma_semaphore, #tpu.memory_space<semaphore_mem>>) src(%dma_wait3A_57 : memref<5120xi32, #tpu.memory_space<hbm>>) dst(%dma_wait3A_56 : memref<5120xi32, #tpu.memory_space<vmem>>)
    } else {
    }
    %not3A = arith.constant true
    %not3A_22 = arith.xori %lt3A_1, %not3A : i1
    %convert_element_type3A_23 = arith.extui %not3A_22 : i1 to i32
    %cond3A_24 = arith.constant 0 : i32
    %cond3A_25 = arith.cmpi ne, %convert_element_type3A_23, %cond3A_24 : i32
    scf.if %cond3A_25 {
      %dma_start3A_46 = arith.constant 0 : i32
      %dma_start3A_47 = tpu.memref_slice %arg7[%dma_start3A_46] : memref<5120xi32, #tpu.memory_space<vmem>> -> memref<4864xi32, #tpu.memory_space<vmem>>
      %dma_start3A_48 = tpu.memref_slice %arg3[%mul3A_10] : memref<160000xi32, #tpu.memory_space<hbm>> -> memref<4864xi32, #tpu.memory_space<hbm>>
      %dma_start3A_49 = arith.constant 0 : i32
      %dma_start3A_50 = tpu.memref_slice %arg7[%dma_start3A_49] : memref<5120xi32, #tpu.memory_space<vmem>> -> memref<4864xi32, #tpu.memory_space<vmem>>
      %dma_start3A_51 = tpu.memref_slice %arg3[%mul3A_10] : memref<160000xi32, #tpu.memory_space<hbm>> -> memref<4864xi32, #tpu.memory_space<hbm>>
      tpu.enqueue_dma source(%dma_start3A_51 : memref<4864xi32, #tpu.memory_space<hbm>>) target(%dma_start3A_50 : memref<4864xi32, #tpu.memory_space<vmem>>) target_semaphore(%arg10 : memref<!tpu.dma_semaphore, #tpu.memory_space<semaphore_mem>>)
      %dma_wait3A_52 = arith.constant 0 : i32
      %dma_wait3A_53 = tpu.memref_slice %arg7[%dma_wait3A_52] : memref<5120xi32, #tpu.memory_space<vmem>> -> memref<4864xi32, #tpu.memory_space<vmem>>
      %dma_wait3A_54 = tpu.memref_slice %arg3[%mul3A_10] : memref<160000xi32, #tpu.memory_space<hbm>> -> memref<4864xi32, #tpu.memory_space<hbm>>
      %dma_wait3A_55 = arith.constant 0 : i32
      %dma_wait3A_56 = tpu.memref_slice %arg7[%dma_wait3A_55] : memref<5120xi32, #tpu.memory_space<vmem>> -> memref<4864xi32, #tpu.memory_space<vmem>>
      %dma_wait3A_57 = tpu.memref_slice %arg3[%mul3A_10] : memref<160000xi32, #tpu.memory_space<hbm>> -> memref<4864xi32, #tpu.memory_space<hbm>>
      tpu.wait_dma2 semaphore(%arg10 : memref<!tpu.dma_semaphore, #tpu.memory_space<semaphore_mem>>) src(%dma_wait3A_57 : memref<4864xi32, #tpu.memory_space<hbm>>) dst(%dma_wait3A_56 : memref<4864xi32, #tpu.memory_space<vmem>>)
    } else {
    }
    %dma_wait3A = arith.constant 8 : i32
    %dma_wait3A_26 = tpu.memref_slice %arg6[%dma_wait3A] : memref<10248xf32, #tpu.memory_space<vmem>> -> memref<10240xf32, #tpu.memory_space<vmem>>
    %dma_wait3A_27 = arith.constant 8 : i32
    %dma_wait3A_28 = tpu.memref_slice %arg6[%dma_wait3A_27] : memref<10248xf32, #tpu.memory_space<vmem>> -> memref<10240xf32, #tpu.memory_space<vmem>>
    tpu.wait_dma2 semaphore(%arg10 : memref<!tpu.dma_semaphore, #tpu.memory_space<semaphore_mem>>) src(%arg2 : memref<10240xf32, #tpu.memory_space<hbm>>) dst(%dma_wait3A_28 : memref<10240xf32, #tpu.memory_space<vmem>>)
    %iota3A = tpu.iota {dimensions = array<i32: 0>} : vector<16xi32>
    %mul3A_29 = arith.constant 16 : i32
    %mul3A_30 = vector.broadcast %mul3A_29 : i32 to vector<16xi32>
    %mul3A_31 = arith.muli %iota3A, %mul3A_30 : vector<16xi32>
    %scan3A = arith.constant 0 : i32
    %scan3A_32 = arith.constant 0 : i32
    %scan3A_33 = arith.constant 20 : i32
    %scan3A_34 = arith.addi %scan3A_32, %scan3A_33 : i32
    %scan3A_35 = arith.constant 1 : i32
    %scan3A_36 = scf.for %scan3A_46 = %scan3A_32 to %scan3A_34 step %scan3A_35 iter_args(%scan3A_47 = %scan3A) -> (i32)  : i32 {
      %lt3A_48 = arith.cmpi slt, %scan3A_46, %select_n3A : i32
      %convert_element_type3A_49 = arith.extui %lt3A_48 : i1 to i32
      %cond3A_50 = arith.constant 0 : i32
      %cond3A_51 = arith.cmpi ne, %convert_element_type3A_49, %cond3A_50 : i32
      scf.if %cond3A_51 {
        %mul3A_53 = arith.constant 256 : i32
        %mul3A_54 = arith.muli %scan3A_46, %mul3A_53 : i32
        %broadcast_in_dim3A = arith.constant 0.000000e+00 : f32
        %broadcast_in_dim3A_55 = vector.broadcast %broadcast_in_dim3A : f32 to vector<16xf32>
        %broadcast_in_dim3A_56 = arith.constant 0.000000e+00 : f32
        %broadcast_in_dim3A_57 = vector.broadcast %broadcast_in_dim3A_56 : f32 to vector<16xf32>
        %add3A_58 = arith.constant 0 : i32
        %add3A_59 = arith.addi %mul3A_54, %add3A_58 : i32
        %add3A_60 = vector.broadcast %add3A_59 : i32 to vector<16xi32>
        %add3A_61 = arith.addi %mul3A_31, %add3A_60 : vector<16xi32>
        %gather3A = tpu.vector_load_idx %arg7[%add3A_61] : memref<5120xi32, #tpu.memory_space<vmem>>[vector<16xi32>], vector<16xi32>,
        %add3A_62 = arith.constant 0 : i32
        %add3A_63 = arith.addi %mul3A_54, %add3A_62 : i32
        %add3A_64 = arith.constant 1 : i32
        %add3A_65 = arith.addi %add3A_63, %add3A_64 : i32
        %add3A_66 = vector.broadcast %add3A_65 : i32 to vector<16xi32>
        %add3A_67 = arith.addi %mul3A_31, %add3A_66 : vector<16xi32>
        %gather3A_68 = tpu.vector_load_idx %arg7[%add3A_67] : memref<5120xi32, #tpu.memory_space<vmem>>[vector<16xi32>], vector<16xi32>,
        %add3A_69 = arith.constant 7 : i32
        %add3A_70 = vector.broadcast %add3A_69 : i32 to vector<16xi32>
        %add3A_71 = arith.addi %gather3A, %add3A_70 : vector<16xi32>
        %gather3A_72 = tpu.vector_load_idx %arg6[%add3A_71] : memref<10248xf32, #tpu.memory_space<vmem>>[vector<16xi32>], vector<16xf32>,
        %add3A_73 = arith.addf %broadcast_in_dim3A_55, %gather3A_72 : vector<16xf32>
        %add3A_74 = arith.constant 7 : i32
        %add3A_75 = vector.broadcast %add3A_74 : i32 to vector<16xi32>
        %add3A_76 = arith.addi %gather3A_68, %add3A_75 : vector<16xi32>
        %gather3A_77 = tpu.vector_load_idx %arg6[%add3A_76] : memref<10248xf32, #tpu.memory_space<vmem>>[vector<16xi32>], vector<16xf32>,
        %add3A_78 = arith.addf %broadcast_in_dim3A_57, %gather3A_77 : vector<16xf32>
        %add3A_79 = arith.constant 2 : i32
        %add3A_80 = arith.addi %mul3A_54, %add3A_79 : i32
        %add3A_81 = vector.broadcast %add3A_80 : i32 to vector<16xi32>
        %add3A_82 = arith.addi %mul3A_31, %add3A_81 : vector<16xi32>
        %gather3A_83 = tpu.vector_load_idx %arg7[%add3A_82] : memref<5120xi32, #tpu.memory_space<vmem>>[vector<16xi32>], vector<16xi32>,
        %add3A_84 = arith.constant 2 : i32
        %add3A_85 = arith.addi %mul3A_54, %add3A_84 : i32
        %add3A_86 = arith.constant 1 : i32
        %add3A_87 = arith.addi %add3A_85, %add3A_86 : i32
        %add3A_88 = vector.broadcast %add3A_87 : i32 to vector<16xi32>
        %add3A_89 = arith.addi %mul3A_31, %add3A_88 : vector<16xi32>
        %gather3A_90 = tpu.vector_load_idx %arg7[%add3A_89] : memref<5120xi32, #tpu.memory_space<vmem>>[vector<16xi32>], vector<16xi32>,
        %add3A_91 = arith.constant 7 : i32
        %add3A_92 = vector.broadcast %add3A_91 : i32 to vector<16xi32>
        %add3A_93 = arith.addi %gather3A_83, %add3A_92 : vector<16xi32>
        %gather3A_94 = tpu.vector_load_idx %arg6[%add3A_93] : memref<10248xf32, #tpu.memory_space<vmem>>[vector<16xi32>], vector<16xf32>,
        %add3A_95 = arith.addf %add3A_73, %gather3A_94 : vector<16xf32>
        %add3A_96 = arith.constant 7 : i32
        %add3A_97 = vector.broadcast %add3A_96 : i32 to vector<16xi32>
        %add3A_98 = arith.addi %gather3A_90, %add3A_97 : vector<16xi32>
        %gather3A_99 = tpu.vector_load_idx %arg6[%add3A_98] : memref<10248xf32, #tpu.memory_space<vmem>>[vector<16xi32>], vector<16xf32>,
        %add3A_100 = arith.addf %add3A_78, %gather3A_99 : vector<16xf32>
        %add3A_101 = arith.constant 4 : i32
        %add3A_102 = arith.addi %mul3A_54, %add3A_101 : i32
        %add3A_103 = vector.broadcast %add3A_102 : i32 to vector<16xi32>
        %add3A_104 = arith.addi %mul3A_31, %add3A_103 : vector<16xi32>
        %gather3A_105 = tpu.vector_load_idx %arg7[%add3A_104] : memref<5120xi32, #tpu.memory_space<vmem>>[vector<16xi32>], vector<16xi32>,
        %add3A_106 = arith.constant 4 : i32
        %add3A_107 = arith.addi %mul3A_54, %add3A_106 : i32
        %add3A_108 = arith.constant 1 : i32
        %add3A_109 = arith.addi %add3A_107, %add3A_108 : i32
        %add3A_110 = vector.broadcast %add3A_109 : i32 to vector<16xi32>
        %add3A_111 = arith.addi %mul3A_31, %add3A_110 : vector<16xi32>
        %gather3A_112 = tpu.vector_load_idx %arg7[%add3A_111] : memref<5120xi32, #tpu.memory_space<vmem>>[vector<16xi32>], vector<16xi32>,
        %add3A_113 = arith.constant 7 : i32
        %add3A_114 = vector.broadcast %add3A_113 : i32 to vector<16xi32>
        %add3A_115 = arith.addi %gather3A_105, %add3A_114 : vector<16xi32>
        %gather3A_116 = tpu.vector_load_idx %arg6[%add3A_115] : memref<10248xf32, #tpu.memory_space<vmem>>[vector<16xi32>], vector<16xf32>,
        %add3A_117 = arith.addf %add3A_95, %gather3A_116 : vector<16xf32>
        %add3A_118 = arith.constant 7 : i32
        %add3A_119 = vector.broadcast %add3A_118 : i32 to vector<16xi32>
        %add3A_120 = arith.addi %gather3A_112, %add3A_119 : vector<16xi32>
        %gather3A_121 = tpu.vector_load_idx %arg6[%add3A_120] : memref<10248xf32, #tpu.memory_space<vmem>>[vector<16xi32>], vector<16xf32>,
        %add3A_122 = arith.addf %add3A_100, %gather3A_121 : vector<16xf32>
        %add3A_123 = arith.constant 6 : i32
        %add3A_124 = arith.addi %mul3A_54, %add3A_123 : i32
        %add3A_125 = vector.broadcast %add3A_124 : i32 to vector<16xi32>
        %add3A_126 = arith.addi %mul3A_31, %add3A_125 : vector<16xi32>
        %gather3A_127 = tpu.vector_load_idx %arg7[%add3A_126] : memref<5120xi32, #tpu.memory_space<vmem>>[vector<16xi32>], vector<16xi32>,
        %add3A_128 = arith.constant 6 : i32
        %add3A_129 = arith.addi %mul3A_54, %add3A_128 : i32
        %add3A_130 = arith.constant 1 : i32
        %add3A_131 = arith.addi %add3A_129, %add3A_130 : i32
        %add3A_132 = vector.broadcast %add3A_131 : i32 to vector<16xi32>
        %add3A_133 = arith.addi %mul3A_31, %add3A_132 : vector<16xi32>
        %gather3A_134 = tpu.vector_load_idx %arg7[%add3A_133] : memref<5120xi32, #tpu.memory_space<vmem>>[vector<16xi32>], vector<16xi32>,
        %add3A_135 = arith.constant 7 : i32
        %add3A_136 = vector.broadcast %add3A_135 : i32 to vector<16xi32>
        %add3A_137 = arith.addi %gather3A_127, %add3A_136 : vector<16xi32>
        %gather3A_138 = tpu.vector_load_idx %arg6[%add3A_137] : memref<10248xf32, #tpu.memory_space<vmem>>[vector<16xi32>], vector<16xf32>,
        %add3A_139 = arith.addf %add3A_117, %gather3A_138 : vector<16xf32>
        %add3A_140 = arith.constant 7 : i32
        %add3A_141 = vector.broadcast %add3A_140 : i32 to vector<16xi32>
        %add3A_142 = arith.addi %gather3A_134, %add3A_141 : vector<16xi32>
        %gather3A_143 = tpu.vector_load_idx %arg6[%add3A_142] : memref<10248xf32, #tpu.memory_space<vmem>>[vector<16xi32>], vector<16xf32>,
        %add3A_144 = arith.addf %add3A_122, %gather3A_143 : vector<16xf32>
        %add3A_145 = arith.constant 8 : i32
        %add3A_146 = arith.addi %mul3A_54, %add3A_145 : i32
        %add3A_147 = vector.broadcast %add3A_146 : i32 to vector<16xi32>
        %add3A_148 = arith.addi %mul3A_31, %add3A_147 : vector<16xi32>
        %gather3A_149 = tpu.vector_load_idx %arg7[%add3A_148] : memref<5120xi32, #tpu.memory_space<vmem>>[vector<16xi32>], vector<16xi32>,
        %add3A_150 = arith.constant 8 : i32
        %add3A_151 = arith.addi %mul3A_54, %add3A_150 : i32
        %add3A_152 = arith.constant 1 : i32
        %add3A_153 = arith.addi %add3A_151, %add3A_152 : i32
        %add3A_154 = vector.broadcast %add3A_153 : i32 to vector<16xi32>
        %add3A_155 = arith.addi %mul3A_31, %add3A_154 : vector<16xi32>
        %gather3A_156 = tpu.vector_load_idx %arg7[%add3A_155] : memref<5120xi32, #tpu.memory_space<vmem>>[vector<16xi32>], vector<16xi32>,
        %add3A_157 = arith.constant 7 : i32
        %add3A_158 = vector.broadcast %add3A_157 : i32 to vector<16xi32>
        %add3A_159 = arith.addi %gather3A_149, %add3A_158 : vector<16xi32>
        %gather3A_160 = tpu.vector_load_idx %arg6[%add3A_159] : memref<10248xf32, #tpu.memory_space<vmem>>[vector<16xi32>], vector<16xf32>,
        %add3A_161 = arith.addf %add3A_139, %gather3A_160 : vector<16xf32>
        %add3A_162 = arith.constant 7 : i32
        %add3A_163 = vector.broadcast %add3A_162 : i32 to vector<16xi32>
        %add3A_164 = arith.addi %gather3A_156, %add3A_163 : vector<16xi32>
        %gather3A_165 = tpu.vector_load_idx %arg6[%add3A_164] : memref<10248xf32, #tpu.memory_space<vmem>>[vector<16xi32>], vector<16xf32>,
        %add3A_166 = arith.addf %add3A_144, %gather3A_165 : vector<16xf32>
        %add3A_167 = arith.constant 10 : i32
        %add3A_168 = arith.addi %mul3A_54, %add3A_167 : i32
        %add3A_169 = vector.broadcast %add3A_168 : i32 to vector<16xi32>
        %add3A_170 = arith.addi %mul3A_31, %add3A_169 : vector<16xi32>
        %gather3A_171 = tpu.vector_load_idx %arg7[%add3A_170] : memref<5120xi32, #tpu.memory_space<vmem>>[vector<16xi32>], vector<16xi32>,
        %add3A_172 = arith.constant 10 : i32
        %add3A_173 = arith.addi %mul3A_54, %add3A_172 : i32
        %add3A_174 = arith.constant 1 : i32
        %add3A_175 = arith.addi %add3A_173, %add3A_174 : i32
        %add3A_176 = vector.broadcast %add3A_175 : i32 to vector<16xi32>
        %add3A_177 = arith.addi %mul3A_31, %add3A_176 : vector<16xi32>
        %gather3A_178 = tpu.vector_load_idx %arg7[%add3A_177] : memref<5120xi32, #tpu.memory_space<vmem>>[vector<16xi32>], vector<16xi32>,
        %add3A_179 = arith.constant 7 : i32
        %add3A_180 = vector.broadcast %add3A_179 : i32 to vector<16xi32>
        %add3A_181 = arith.addi %gather3A_171, %add3A_180 : vector<16xi32>
        %gather3A_182 = tpu.vector_load_idx %arg6[%add3A_181] : memref<10248xf32, #tpu.memory_space<vmem>>[vector<16xi32>], vector<16xf32>,
        %add3A_183 = arith.addf %add3A_161, %gather3A_182 : vector<16xf32>
        %add3A_184 = arith.constant 7 : i32
        %add3A_185 = vector.broadcast %add3A_184 : i32 to vector<16xi32>
        %add3A_186 = arith.addi %gather3A_178, %add3A_185 : vector<16xi32>
        %gather3A_187 = tpu.vector_load_idx %arg6[%add3A_186] : memref<10248xf32, #tpu.memory_space<vmem>>[vector<16xi32>], vector<16xf32>,
        %add3A_188 = arith.addf %add3A_166, %gather3A_187 : vector<16xf32>
        %add3A_189 = arith.constant 12 : i32
        %add3A_190 = arith.addi %mul3A_54, %add3A_189 : i32
        %add3A_191 = vector.broadcast %add3A_190 : i32 to vector<16xi32>
        %add3A_192 = arith.addi %mul3A_31, %add3A_191 : vector<16xi32>
        %gather3A_193 = tpu.vector_load_idx %arg7[%add3A_192] : memref<5120xi32, #tpu.memory_space<vmem>>[vector<16xi32>], vector<16xi32>,
        %add3A_194 = arith.constant 12 : i32
        %add3A_195 = arith.addi %mul3A_54, %add3A_194 : i32
        %add3A_196 = arith.constant 1 : i32
        %add3A_197 = arith.addi %add3A_195, %add3A_196 : i32
        %add3A_198 = vector.broadcast %add3A_197 : i32 to vector<16xi32>
        %add3A_199 = arith.addi %mul3A_31, %add3A_198 : vector<16xi32>
        %gather3A_200 = tpu.vector_load_idx %arg7[%add3A_199] : memref<5120xi32, #tpu.memory_space<vmem>>[vector<16xi32>], vector<16xi32>,
        %add3A_201 = arith.constant 7 : i32
        %add3A_202 = vector.broadcast %add3A_201 : i32 to vector<16xi32>
        %add3A_203 = arith.addi %gather3A_193, %add3A_202 : vector<16xi32>
        %gather3A_204 = tpu.vector_load_idx %arg6[%add3A_203] : memref<10248xf32, #tpu.memory_space<vmem>>[vector<16xi32>], vector<16xf32>,
        %add3A_205 = arith.addf %add3A_183, %gather3A_204 : vector<16xf32>
        %add3A_206 = arith.constant 7 : i32
        %add3A_207 = vector.broadcast %add3A_206 : i32 to vector<16xi32>
        %add3A_208 = arith.addi %gather3A_200, %add3A_207 : vector<16xi32>
        %gather3A_209 = tpu.vector_load_idx %arg6[%add3A_208] : memref<10248xf32, #tpu.memory_space<vmem>>[vector<16xi32>], vector<16xf32>,
        %add3A_210 = arith.addf %add3A_188, %gather3A_209 : vector<16xf32>
        %add3A_211 = arith.constant 14 : i32
        %add3A_212 = arith.addi %mul3A_54, %add3A_211 : i32
        %add3A_213 = vector.broadcast %add3A_212 : i32 to vector<16xi32>
        %add3A_214 = arith.addi %mul3A_31, %add3A_213 : vector<16xi32>
        %gather3A_215 = tpu.vector_load_idx %arg7[%add3A_214] : memref<5120xi32, #tpu.memory_space<vmem>>[vector<16xi32>], vector<16xi32>,
        %add3A_216 = arith.constant 14 : i32
        %add3A_217 = arith.addi %mul3A_54, %add3A_216 : i32
        %add3A_218 = arith.constant 1 : i32
        %add3A_219 = arith.addi %add3A_217, %add3A_218 : i32
        %add3A_220 = vector.broadcast %add3A_219 : i32 to vector<16xi32>
        %add3A_221 = arith.addi %mul3A_31, %add3A_220 : vector<16xi32>
        %gather3A_222 = tpu.vector_load_idx %arg7[%add3A_221] : memref<5120xi32, #tpu.memory_space<vmem>>[vector<16xi32>], vector<16xi32>,
        %add3A_223 = arith.constant 7 : i32
        %add3A_224 = vector.broadcast %add3A_223 : i32 to vector<16xi32>
        %add3A_225 = arith.addi %gather3A_215, %add3A_224 : vector<16xi32>
        %gather3A_226 = tpu.vector_load_idx %arg6[%add3A_225] : memref<10248xf32, #tpu.memory_space<vmem>>[vector<16xi32>], vector<16xf32>,
        %add3A_227 = arith.addf %add3A_205, %gather3A_226 : vector<16xf32>
        %add3A_228 = arith.constant 7 : i32
        %add3A_229 = vector.broadcast %add3A_228 : i32 to vector<16xi32>
        %add3A_230 = arith.addi %gather3A_222, %add3A_229 : vector<16xi32>
        %gather3A_231 = tpu.vector_load_idx %arg6[%add3A_230] : memref<10248xf32, #tpu.memory_space<vmem>>[vector<16xi32>], vector<16xf32>,
        %add3A_232 = arith.addf %add3A_210, %gather3A_231 : vector<16xf32>
        %add3A_233 = arith.addf %add3A_227, %add3A_232 : vector<16xf32>
        %max3A = arith.constant 0.000000e+00 : f32
        %max3A_234 = vector.broadcast %max3A : f32 to vector<16xf32>
        %max3A_235 = arith.maximumf %add3A_233, %max3A_234 : vector<16xf32>
        %mul3A_236 = arith.constant 16 : i32
        %mul3A_237 = arith.muli %scan3A_46, %mul3A_236 : i32
        %swap3A_238 = arith.index_cast %mul3A_237 : i32 to index
        %swap3A_239 = tpu.vector_load %arg8[%swap3A_238] {strides = array<i32>} : memref<320xf32, #tpu.memory_space<vmem>>, vector<16xf32>,
        tpu.vector_store %arg8[%swap3A_238], %max3A_235 {strides = array<i32>} : memref<320xf32, #tpu.memory_space<vmem>>, vector<16xf32>,
      } else {
      }
      %scan3A_52 = arith.constant 0 : i32
      scf.yield %scan3A_52 : i32
    }
    %scan3A_37 = arith.constant 20 : i32
    %convert_element_type3A_38 = arith.extui %lt3A_1 : i1 to i32
    %cond3A_39 = arith.constant 0 : i32
    %cond3A_40 = arith.cmpi ne, %convert_element_type3A_38, %cond3A_39 : i32
    scf.if %cond3A_40 {
      "tpu.region"() ({
        %run_scoped3A = tpu.sem_alloc : memref<!tpu.dma_semaphore, #tpu.memory_space<semaphore_mem>>
        %dma_start3A_46 = arith.constant 0 : i32
        %dma_start3A_47 = tpu.memref_slice %arg8[%dma_start3A_46] : memref<320xf32, #tpu.memory_space<vmem>> -> memref<320xf32, #tpu.memory_space<vmem>>
        %dma_start3A_48 = tpu.memref_slice %arg5[%mul3A_12] : memref<10000xf32, #tpu.memory_space<hbm>> -> memref<320xf32, #tpu.memory_space<hbm>>
        %dma_start3A_49 = tpu.memref_slice %arg5[%mul3A_12] : memref<10000xf32, #tpu.memory_space<hbm>> -> memref<320xf32, #tpu.memory_space<hbm>>
        %dma_start3A_50 = arith.constant 0 : i32
        %dma_start3A_51 = tpu.memref_slice %arg8[%dma_start3A_50] : memref<320xf32, #tpu.memory_space<vmem>> -> memref<320xf32, #tpu.memory_space<vmem>>
        tpu.enqueue_dma source(%dma_start3A_51 : memref<320xf32, #tpu.memory_space<vmem>>) target(%dma_start3A_49 : memref<320xf32, #tpu.memory_space<hbm>>) target_semaphore(%run_scoped3A : memref<!tpu.dma_semaphore, #tpu.memory_space<semaphore_mem>>)
        %dma_wait3A_52 = arith.constant 0 : i32
        %dma_wait3A_53 = tpu.memref_slice %arg8[%dma_wait3A_52] : memref<320xf32, #tpu.memory_space<vmem>> -> memref<320xf32, #tpu.memory_space<vmem>>
        %dma_wait3A_54 = tpu.memref_slice %arg5[%mul3A_12] : memref<10000xf32, #tpu.memory_space<hbm>> -> memref<320xf32, #tpu.memory_space<hbm>>
        %dma_wait3A_55 = tpu.memref_slice %arg5[%mul3A_12] : memref<10000xf32, #tpu.memory_space<hbm>> -> memref<320xf32, #tpu.memory_space<hbm>>
        %dma_wait3A_56 = arith.constant 0 : i32
        %dma_wait3A_57 = tpu.memref_slice %arg8[%dma_wait3A_56] : memref<320xf32, #tpu.memory_space<vmem>> -> memref<320xf32, #tpu.memory_space<vmem>>
        tpu.wait_dma2 semaphore(%run_scoped3A : memref<!tpu.dma_semaphore, #tpu.memory_space<semaphore_mem>>) src(%dma_wait3A_57 : memref<320xf32, #tpu.memory_space<vmem>>) dst(%dma_wait3A_55 : memref<320xf32, #tpu.memory_space<hbm>>)
        tpu.yield
      }) : () -> ()
    } else {
    }
    %not3A_41 = arith.constant true
    %not3A_42 = arith.xori %lt3A_1, %not3A_41 : i1
    %convert_element_type3A_43 = arith.extui %not3A_42 : i1 to i32
    %cond3A_44 = arith.constant 0 : i32
    %cond3A_45 = arith.cmpi ne, %convert_element_type3A_43, %cond3A_44 : i32
    scf.if %cond3A_45 {
      "tpu.region"() ({
        %run_scoped3A = tpu.sem_alloc : memref<!tpu.dma_semaphore, #tpu.memory_space<semaphore_mem>>
        %dma_start3A_46 = arith.constant 0 : i32
        %dma_start3A_47 = tpu.memref_slice %arg8[%dma_start3A_46] : memref<320xf32, #tpu.memory_space<vmem>> -> memref<304xf32, #tpu.memory_space<vmem>>
        %dma_start3A_48 = tpu.memref_slice %arg5[%mul3A_12] : memref<10000xf32, #tpu.memory_space<hbm>> -> memref<304xf32, #tpu.memory_space<hbm>>
        %dma_start3A_49 = tpu.memref_slice %arg5[%mul3A_12] : memref<10000xf32, #tpu.memory_space<hbm>> -> memref<304xf32, #tpu.memory_space<hbm>>
        %dma_start3A_50 = arith.constant 0 : i32
        %dma_start3A_51 = tpu.memref_slice %arg8[%dma_start3A_50] : memref<320xf32, #tpu.memory_space<vmem>> -> memref<304xf32, #tpu.memory_space<vmem>>
        tpu.enqueue_dma source(%dma_start3A_51 : memref<304xf32, #tpu.memory_space<vmem>>) target(%dma_start3A_49 : memref<304xf32, #tpu.memory_space<hbm>>) target_semaphore(%run_scoped3A : memref<!tpu.dma_semaphore, #tpu.memory_space<semaphore_mem>>)
        %dma_wait3A_52 = arith.constant 0 : i32
        %dma_wait3A_53 = tpu.memref_slice %arg8[%dma_wait3A_52] : memref<320xf32, #tpu.memory_space<vmem>> -> memref<304xf32, #tpu.memory_space<vmem>>
        %dma_wait3A_54 = tpu.memref_slice %arg5[%mul3A_12] : memref<10000xf32, #tpu.memory_space<hbm>> -> memref<304xf32, #tpu.memory_space<hbm>>
        %dma_wait3A_55 = tpu.memref_slice %arg5[%mul3A_12] : memref<10000xf32, #tpu.memory_space<hbm>> -> memref<304xf32, #tpu.memory_space<hbm>>
        %dma_wait3A_56 = arith.constant 0 : i32
        %dma_wait3A_57 = tpu.memref_slice %arg8[%dma_wait3A_56] : memref<320xf32, #tpu.memory_space<vmem>> -> memref<304xf32, #tpu.memory_space<vmem>>
        tpu.wait_dma2 semaphore(%run_scoped3A : memref<!tpu.dma_semaphore, #tpu.memory_space<semaphore_mem>>) src(%dma_wait3A_57 : memref<304xf32, #tpu.memory_space<vmem>>) dst(%dma_wait3A_55 : memref<304xf32, #tpu.memory_space<hbm>>)
        tpu.yield
      }) : () -> ()
    } else {
    }
    return
  }
}

module attributes {stable_mosaic.version = 14 : i64} {
  func.func @_matvec_body(%arg0: i32, %arg1: memref<2048x256xf32, #tpu.memory_space<vmem>>, %arg2: memref<1x256xf32, #tpu.memory_space<vmem>>, %arg3: memref<1x1xf32, #tpu.memory_space<vmem>>, %arg4: memref<16x128xf32, #tpu.memory_space<vmem>>) attributes {dimension_semantics = [#tpu.dimension_semantics<arbitrary>], iteration_bounds = array<i64: 5>, scalar_prefetch = 0 : i64, scratch_operands = 0 : i64, tpu.core_type = #tpu.core_type<tc>, window_params = [{transform_indices = @transform_0, window_bounds = array<i64: 2048, 256>}, {pipeline_mode = #tpu.pipeline_mode<synchronous>, transform_indices = @transform_1, window_bounds = array<i64: 1, 256>}, {pipeline_mode = #tpu.pipeline_mode<synchronous>, transform_indices = @transform_2, window_bounds = array<i64: 1, 1>}, {transform_indices = @transform_3, window_bounds = array<i64: 16, 128>}]} {
    %get3A = arith.constant 0 : index
    %get3A_0 = arith.constant 0 : index
    %get3A_1 = vector.load %arg3[%get3A, %get3A_0] : memref<1x1xf32, #tpu.memory_space<vmem>>, vector<1x1xf32>
    %get3A_2 = vector.extract %get3A_1[0, 0] : f32 from vector<1x1xf32>
    %div3A = arith.constant 1.600000e+01 : f32
    %div3A_3 = arith.divf %get3A_2, %div3A : f32
    %get3A_4 = arith.constant 0 : index
    %get3A_5 = arith.constant 0 : index
    %get3A_6 = vector.load %arg2[%get3A_4, %get3A_5] : memref<1x256xf32, #tpu.memory_space<vmem>>, vector<1x256xf32>
    %get3A_7 = arith.constant 0 : index
    %get3A_8 = arith.constant 0 : index
    %get3A_9 = vector.load %arg1[%get3A_7, %get3A_8] : memref<2048x256xf32, #tpu.memory_space<vmem>>, vector<128x256xf32>
    %dot_general3A = arith.constant dense<0.000000e+00> : vector<1x128xf32>
    %dot_general3A_10 = tpu.matmul %get3A_6, %get3A_9, %dot_general3A {dimension_numbers = #tpu.dot_dimension_numbers<[1], [1], [0], [0], [0, 0, 1, 0], [], []>, transpose_lhs_hint = false} : vector<1x256xf32>, vector<128x256xf32>, vector<1x128xf32> -> vector<1x128xf32>
    %add3A = vector.broadcast %div3A_3 : f32 to vector<1x128xf32>
    %add3A_11 = arith.addf %dot_general3A_10, %add3A : vector<1x128xf32>
    %swap3A = arith.constant 0 : index
    %swap3A_12 = arith.constant 0 : index
    %swap3A_13 = vector.load %arg4[%swap3A, %swap3A_12] : memref<16x128xf32, #tpu.memory_space<vmem>>, vector<1x128xf32>
    tpu.vector_store %arg4[%swap3A, %swap3A_12], %add3A_11 {strides = array<i32>} : memref<16x128xf32, #tpu.memory_space<vmem>>, vector<1x128xf32>,
    %get3A_14 = arith.constant 128 : index
    %get3A_15 = arith.constant 0 : index
    %get3A_16 = vector.load %arg1[%get3A_14, %get3A_15] : memref<2048x256xf32, #tpu.memory_space<vmem>>, vector<128x256xf32>
    %dot_general3A_17 = arith.constant dense<0.000000e+00> : vector<1x128xf32>
    %dot_general3A_18 = tpu.matmul %get3A_6, %get3A_16, %dot_general3A_17 {dimension_numbers = #tpu.dot_dimension_numbers<[1], [1], [0], [0], [0, 0, 1, 0], [], []>, transpose_lhs_hint = false} : vector<1x256xf32>, vector<128x256xf32>, vector<1x128xf32> -> vector<1x128xf32>
    %add3A_19 = vector.broadcast %div3A_3 : f32 to vector<1x128xf32>
    %add3A_20 = arith.addf %dot_general3A_18, %add3A_19 : vector<1x128xf32>
    %swap3A_21 = arith.constant 1 : index
    %swap3A_22 = arith.constant 0 : index
    %swap3A_23 = vector.load %arg4[%swap3A_21, %swap3A_22] : memref<16x128xf32, #tpu.memory_space<vmem>>, vector<1x128xf32>
    tpu.vector_store %arg4[%swap3A_21, %swap3A_22], %add3A_20 {strides = array<i32>} : memref<16x128xf32, #tpu.memory_space<vmem>>, vector<1x128xf32>,
    %get3A_24 = arith.constant 256 : index
    %get3A_25 = arith.constant 0 : index
    %get3A_26 = vector.load %arg1[%get3A_24, %get3A_25] : memref<2048x256xf32, #tpu.memory_space<vmem>>, vector<128x256xf32>
    %dot_general3A_27 = arith.constant dense<0.000000e+00> : vector<1x128xf32>
    %dot_general3A_28 = tpu.matmul %get3A_6, %get3A_26, %dot_general3A_27 {dimension_numbers = #tpu.dot_dimension_numbers<[1], [1], [0], [0], [0, 0, 1, 0], [], []>, transpose_lhs_hint = false} : vector<1x256xf32>, vector<128x256xf32>, vector<1x128xf32> -> vector<1x128xf32>
    %add3A_29 = vector.broadcast %div3A_3 : f32 to vector<1x128xf32>
    %add3A_30 = arith.addf %dot_general3A_28, %add3A_29 : vector<1x128xf32>
    %swap3A_31 = arith.constant 2 : index
    %swap3A_32 = arith.constant 0 : index
    %swap3A_33 = vector.load %arg4[%swap3A_31, %swap3A_32] : memref<16x128xf32, #tpu.memory_space<vmem>>, vector<1x128xf32>
    tpu.vector_store %arg4[%swap3A_31, %swap3A_32], %add3A_30 {strides = array<i32>} : memref<16x128xf32, #tpu.memory_space<vmem>>, vector<1x128xf32>,
    %get3A_34 = arith.constant 384 : index
    %get3A_35 = arith.constant 0 : index
    %get3A_36 = vector.load %arg1[%get3A_34, %get3A_35] : memref<2048x256xf32, #tpu.memory_space<vmem>>, vector<128x256xf32>
    %dot_general3A_37 = arith.constant dense<0.000000e+00> : vector<1x128xf32>
    %dot_general3A_38 = tpu.matmul %get3A_6, %get3A_36, %dot_general3A_37 {dimension_numbers = #tpu.dot_dimension_numbers<[1], [1], [0], [0], [0, 0, 1, 0], [], []>, transpose_lhs_hint = false} : vector<1x256xf32>, vector<128x256xf32>, vector<1x128xf32> -> vector<1x128xf32>
    %add3A_39 = vector.broadcast %div3A_3 : f32 to vector<1x128xf32>
    %add3A_40 = arith.addf %dot_general3A_38, %add3A_39 : vector<1x128xf32>
    %swap3A_41 = arith.constant 3 : index
    %swap3A_42 = arith.constant 0 : index
    %swap3A_43 = vector.load %arg4[%swap3A_41, %swap3A_42] : memref<16x128xf32, #tpu.memory_space<vmem>>, vector<1x128xf32>
    tpu.vector_store %arg4[%swap3A_41, %swap3A_42], %add3A_40 {strides = array<i32>} : memref<16x128xf32, #tpu.memory_space<vmem>>, vector<1x128xf32>,
    %get3A_44 = arith.constant 512 : index
    %get3A_45 = arith.constant 0 : index
    %get3A_46 = vector.load %arg1[%get3A_44, %get3A_45] : memref<2048x256xf32, #tpu.memory_space<vmem>>, vector<128x256xf32>
    %dot_general3A_47 = arith.constant dense<0.000000e+00> : vector<1x128xf32>
    %dot_general3A_48 = tpu.matmul %get3A_6, %get3A_46, %dot_general3A_47 {dimension_numbers = #tpu.dot_dimension_numbers<[1], [1], [0], [0], [0, 0, 1, 0], [], []>, transpose_lhs_hint = false} : vector<1x256xf32>, vector<128x256xf32>, vector<1x128xf32> -> vector<1x128xf32>
    %add3A_49 = vector.broadcast %div3A_3 : f32 to vector<1x128xf32>
    %add3A_50 = arith.addf %dot_general3A_48, %add3A_49 : vector<1x128xf32>
    %swap3A_51 = arith.constant 4 : index
    %swap3A_52 = arith.constant 0 : index
    %swap3A_53 = vector.load %arg4[%swap3A_51, %swap3A_52] : memref<16x128xf32, #tpu.memory_space<vmem>>, vector<1x128xf32>
    tpu.vector_store %arg4[%swap3A_51, %swap3A_52], %add3A_50 {strides = array<i32>} : memref<16x128xf32, #tpu.memory_space<vmem>>, vector<1x128xf32>,
    %get3A_54 = arith.constant 640 : index
    %get3A_55 = arith.constant 0 : index
    %get3A_56 = vector.load %arg1[%get3A_54, %get3A_55] : memref<2048x256xf32, #tpu.memory_space<vmem>>, vector<128x256xf32>
    %dot_general3A_57 = arith.constant dense<0.000000e+00> : vector<1x128xf32>
    %dot_general3A_58 = tpu.matmul %get3A_6, %get3A_56, %dot_general3A_57 {dimension_numbers = #tpu.dot_dimension_numbers<[1], [1], [0], [0], [0, 0, 1, 0], [], []>, transpose_lhs_hint = false} : vector<1x256xf32>, vector<128x256xf32>, vector<1x128xf32> -> vector<1x128xf32>
    %add3A_59 = vector.broadcast %div3A_3 : f32 to vector<1x128xf32>
    %add3A_60 = arith.addf %dot_general3A_58, %add3A_59 : vector<1x128xf32>
    %swap3A_61 = arith.constant 5 : index
    %swap3A_62 = arith.constant 0 : index
    %swap3A_63 = vector.load %arg4[%swap3A_61, %swap3A_62] : memref<16x128xf32, #tpu.memory_space<vmem>>, vector<1x128xf32>
    tpu.vector_store %arg4[%swap3A_61, %swap3A_62], %add3A_60 {strides = array<i32>} : memref<16x128xf32, #tpu.memory_space<vmem>>, vector<1x128xf32>,
    %get3A_64 = arith.constant 768 : index
    %get3A_65 = arith.constant 0 : index
    %get3A_66 = vector.load %arg1[%get3A_64, %get3A_65] : memref<2048x256xf32, #tpu.memory_space<vmem>>, vector<128x256xf32>
    %dot_general3A_67 = arith.constant dense<0.000000e+00> : vector<1x128xf32>
    %dot_general3A_68 = tpu.matmul %get3A_6, %get3A_66, %dot_general3A_67 {dimension_numbers = #tpu.dot_dimension_numbers<[1], [1], [0], [0], [0, 0, 1, 0], [], []>, transpose_lhs_hint = false} : vector<1x256xf32>, vector<128x256xf32>, vector<1x128xf32> -> vector<1x128xf32>
    %add3A_69 = vector.broadcast %div3A_3 : f32 to vector<1x128xf32>
    %add3A_70 = arith.addf %dot_general3A_68, %add3A_69 : vector<1x128xf32>
    %swap3A_71 = arith.constant 6 : index
    %swap3A_72 = arith.constant 0 : index
    %swap3A_73 = vector.load %arg4[%swap3A_71, %swap3A_72] : memref<16x128xf32, #tpu.memory_space<vmem>>, vector<1x128xf32>
    tpu.vector_store %arg4[%swap3A_71, %swap3A_72], %add3A_70 {strides = array<i32>} : memref<16x128xf32, #tpu.memory_space<vmem>>, vector<1x128xf32>,
    %get3A_74 = arith.constant 896 : index
    %get3A_75 = arith.constant 0 : index
    %get3A_76 = vector.load %arg1[%get3A_74, %get3A_75] : memref<2048x256xf32, #tpu.memory_space<vmem>>, vector<128x256xf32>
    %dot_general3A_77 = arith.constant dense<0.000000e+00> : vector<1x128xf32>
    %dot_general3A_78 = tpu.matmul %get3A_6, %get3A_76, %dot_general3A_77 {dimension_numbers = #tpu.dot_dimension_numbers<[1], [1], [0], [0], [0, 0, 1, 0], [], []>, transpose_lhs_hint = false} : vector<1x256xf32>, vector<128x256xf32>, vector<1x128xf32> -> vector<1x128xf32>
    %add3A_79 = vector.broadcast %div3A_3 : f32 to vector<1x128xf32>
    %add3A_80 = arith.addf %dot_general3A_78, %add3A_79 : vector<1x128xf32>
    %swap3A_81 = arith.constant 7 : index
    %swap3A_82 = arith.constant 0 : index
    %swap3A_83 = vector.load %arg4[%swap3A_81, %swap3A_82] : memref<16x128xf32, #tpu.memory_space<vmem>>, vector<1x128xf32>
    tpu.vector_store %arg4[%swap3A_81, %swap3A_82], %add3A_80 {strides = array<i32>} : memref<16x128xf32, #tpu.memory_space<vmem>>, vector<1x128xf32>,
    %get3A_84 = arith.constant 1024 : index
    %get3A_85 = arith.constant 0 : index
    %get3A_86 = vector.load %arg1[%get3A_84, %get3A_85] : memref<2048x256xf32, #tpu.memory_space<vmem>>, vector<128x256xf32>
    %dot_general3A_87 = arith.constant dense<0.000000e+00> : vector<1x128xf32>
    %dot_general3A_88 = tpu.matmul %get3A_6, %get3A_86, %dot_general3A_87 {dimension_numbers = #tpu.dot_dimension_numbers<[1], [1], [0], [0], [0, 0, 1, 0], [], []>, transpose_lhs_hint = false} : vector<1x256xf32>, vector<128x256xf32>, vector<1x128xf32> -> vector<1x128xf32>
    %add3A_89 = vector.broadcast %div3A_3 : f32 to vector<1x128xf32>
    %add3A_90 = arith.addf %dot_general3A_88, %add3A_89 : vector<1x128xf32>
    %swap3A_91 = arith.constant 8 : index
    %swap3A_92 = arith.constant 0 : index
    %swap3A_93 = vector.load %arg4[%swap3A_91, %swap3A_92] : memref<16x128xf32, #tpu.memory_space<vmem>>, vector<1x128xf32>
    tpu.vector_store %arg4[%swap3A_91, %swap3A_92], %add3A_90 {strides = array<i32>} : memref<16x128xf32, #tpu.memory_space<vmem>>, vector<1x128xf32>,
    %get3A_94 = arith.constant 1152 : index
    %get3A_95 = arith.constant 0 : index
    %get3A_96 = vector.load %arg1[%get3A_94, %get3A_95] : memref<2048x256xf32, #tpu.memory_space<vmem>>, vector<128x256xf32>
    %dot_general3A_97 = arith.constant dense<0.000000e+00> : vector<1x128xf32>
    %dot_general3A_98 = tpu.matmul %get3A_6, %get3A_96, %dot_general3A_97 {dimension_numbers = #tpu.dot_dimension_numbers<[1], [1], [0], [0], [0, 0, 1, 0], [], []>, transpose_lhs_hint = false} : vector<1x256xf32>, vector<128x256xf32>, vector<1x128xf32> -> vector<1x128xf32>
    %add3A_99 = vector.broadcast %div3A_3 : f32 to vector<1x128xf32>
    %add3A_100 = arith.addf %dot_general3A_98, %add3A_99 : vector<1x128xf32>
    %swap3A_101 = arith.constant 9 : index
    %swap3A_102 = arith.constant 0 : index
    %swap3A_103 = vector.load %arg4[%swap3A_101, %swap3A_102] : memref<16x128xf32, #tpu.memory_space<vmem>>, vector<1x128xf32>
    tpu.vector_store %arg4[%swap3A_101, %swap3A_102], %add3A_100 {strides = array<i32>} : memref<16x128xf32, #tpu.memory_space<vmem>>, vector<1x128xf32>,
    %get3A_104 = arith.constant 1280 : index
    %get3A_105 = arith.constant 0 : index
    %get3A_106 = vector.load %arg1[%get3A_104, %get3A_105] : memref<2048x256xf32, #tpu.memory_space<vmem>>, vector<128x256xf32>
    %dot_general3A_107 = arith.constant dense<0.000000e+00> : vector<1x128xf32>
    %dot_general3A_108 = tpu.matmul %get3A_6, %get3A_106, %dot_general3A_107 {dimension_numbers = #tpu.dot_dimension_numbers<[1], [1], [0], [0], [0, 0, 1, 0], [], []>, transpose_lhs_hint = false} : vector<1x256xf32>, vector<128x256xf32>, vector<1x128xf32> -> vector<1x128xf32>
    %add3A_109 = vector.broadcast %div3A_3 : f32 to vector<1x128xf32>
    %add3A_110 = arith.addf %dot_general3A_108, %add3A_109 : vector<1x128xf32>
    %swap3A_111 = arith.constant 10 : index
    %swap3A_112 = arith.constant 0 : index
    %swap3A_113 = vector.load %arg4[%swap3A_111, %swap3A_112] : memref<16x128xf32, #tpu.memory_space<vmem>>, vector<1x128xf32>
    tpu.vector_store %arg4[%swap3A_111, %swap3A_112], %add3A_110 {strides = array<i32>} : memref<16x128xf32, #tpu.memory_space<vmem>>, vector<1x128xf32>,
    %get3A_114 = arith.constant 1408 : index
    %get3A_115 = arith.constant 0 : index
    %get3A_116 = vector.load %arg1[%get3A_114, %get3A_115] : memref<2048x256xf32, #tpu.memory_space<vmem>>, vector<128x256xf32>
    %dot_general3A_117 = arith.constant dense<0.000000e+00> : vector<1x128xf32>
    %dot_general3A_118 = tpu.matmul %get3A_6, %get3A_116, %dot_general3A_117 {dimension_numbers = #tpu.dot_dimension_numbers<[1], [1], [0], [0], [0, 0, 1, 0], [], []>, transpose_lhs_hint = false} : vector<1x256xf32>, vector<128x256xf32>, vector<1x128xf32> -> vector<1x128xf32>
    %add3A_119 = vector.broadcast %div3A_3 : f32 to vector<1x128xf32>
    %add3A_120 = arith.addf %dot_general3A_118, %add3A_119 : vector<1x128xf32>
    %swap3A_121 = arith.constant 11 : index
    %swap3A_122 = arith.constant 0 : index
    %swap3A_123 = vector.load %arg4[%swap3A_121, %swap3A_122] : memref<16x128xf32, #tpu.memory_space<vmem>>, vector<1x128xf32>
    tpu.vector_store %arg4[%swap3A_121, %swap3A_122], %add3A_120 {strides = array<i32>} : memref<16x128xf32, #tpu.memory_space<vmem>>, vector<1x128xf32>,
    %get3A_124 = arith.constant 1536 : index
    %get3A_125 = arith.constant 0 : index
    %get3A_126 = vector.load %arg1[%get3A_124, %get3A_125] : memref<2048x256xf32, #tpu.memory_space<vmem>>, vector<128x256xf32>
    %dot_general3A_127 = arith.constant dense<0.000000e+00> : vector<1x128xf32>
    %dot_general3A_128 = tpu.matmul %get3A_6, %get3A_126, %dot_general3A_127 {dimension_numbers = #tpu.dot_dimension_numbers<[1], [1], [0], [0], [0, 0, 1, 0], [], []>, transpose_lhs_hint = false} : vector<1x256xf32>, vector<128x256xf32>, vector<1x128xf32> -> vector<1x128xf32>
    %add3A_129 = vector.broadcast %div3A_3 : f32 to vector<1x128xf32>
    %add3A_130 = arith.addf %dot_general3A_128, %add3A_129 : vector<1x128xf32>
    %swap3A_131 = arith.constant 12 : index
    %swap3A_132 = arith.constant 0 : index
    %swap3A_133 = vector.load %arg4[%swap3A_131, %swap3A_132] : memref<16x128xf32, #tpu.memory_space<vmem>>, vector<1x128xf32>
    tpu.vector_store %arg4[%swap3A_131, %swap3A_132], %add3A_130 {strides = array<i32>} : memref<16x128xf32, #tpu.memory_space<vmem>>, vector<1x128xf32>,
    %get3A_134 = arith.constant 1664 : index
    %get3A_135 = arith.constant 0 : index
    %get3A_136 = vector.load %arg1[%get3A_134, %get3A_135] : memref<2048x256xf32, #tpu.memory_space<vmem>>, vector<128x256xf32>
    %dot_general3A_137 = arith.constant dense<0.000000e+00> : vector<1x128xf32>
    %dot_general3A_138 = tpu.matmul %get3A_6, %get3A_136, %dot_general3A_137 {dimension_numbers = #tpu.dot_dimension_numbers<[1], [1], [0], [0], [0, 0, 1, 0], [], []>, transpose_lhs_hint = false} : vector<1x256xf32>, vector<128x256xf32>, vector<1x128xf32> -> vector<1x128xf32>
    %add3A_139 = vector.broadcast %div3A_3 : f32 to vector<1x128xf32>
    %add3A_140 = arith.addf %dot_general3A_138, %add3A_139 : vector<1x128xf32>
    %swap3A_141 = arith.constant 13 : index
    %swap3A_142 = arith.constant 0 : index
    %swap3A_143 = vector.load %arg4[%swap3A_141, %swap3A_142] : memref<16x128xf32, #tpu.memory_space<vmem>>, vector<1x128xf32>
    tpu.vector_store %arg4[%swap3A_141, %swap3A_142], %add3A_140 {strides = array<i32>} : memref<16x128xf32, #tpu.memory_space<vmem>>, vector<1x128xf32>,
    %get3A_144 = arith.constant 1792 : index
    %get3A_145 = arith.constant 0 : index
    %get3A_146 = vector.load %arg1[%get3A_144, %get3A_145] : memref<2048x256xf32, #tpu.memory_space<vmem>>, vector<128x256xf32>
    %dot_general3A_147 = arith.constant dense<0.000000e+00> : vector<1x128xf32>
    %dot_general3A_148 = tpu.matmul %get3A_6, %get3A_146, %dot_general3A_147 {dimension_numbers = #tpu.dot_dimension_numbers<[1], [1], [0], [0], [0, 0, 1, 0], [], []>, transpose_lhs_hint = false} : vector<1x256xf32>, vector<128x256xf32>, vector<1x128xf32> -> vector<1x128xf32>
    %add3A_149 = vector.broadcast %div3A_3 : f32 to vector<1x128xf32>
    %add3A_150 = arith.addf %dot_general3A_148, %add3A_149 : vector<1x128xf32>
    %swap3A_151 = arith.constant 14 : index
    %swap3A_152 = arith.constant 0 : index
    %swap3A_153 = vector.load %arg4[%swap3A_151, %swap3A_152] : memref<16x128xf32, #tpu.memory_space<vmem>>, vector<1x128xf32>
    tpu.vector_store %arg4[%swap3A_151, %swap3A_152], %add3A_150 {strides = array<i32>} : memref<16x128xf32, #tpu.memory_space<vmem>>, vector<1x128xf32>,
    %get3A_154 = arith.constant 1920 : index
    %get3A_155 = arith.constant 0 : index
    %get3A_156 = vector.load %arg1[%get3A_154, %get3A_155] : memref<2048x256xf32, #tpu.memory_space<vmem>>, vector<128x256xf32>
    %dot_general3A_157 = arith.constant dense<0.000000e+00> : vector<1x128xf32>
    %dot_general3A_158 = tpu.matmul %get3A_6, %get3A_156, %dot_general3A_157 {dimension_numbers = #tpu.dot_dimension_numbers<[1], [1], [0], [0], [0, 0, 1, 0], [], []>, transpose_lhs_hint = false} : vector<1x256xf32>, vector<128x256xf32>, vector<1x128xf32> -> vector<1x128xf32>
    %add3A_159 = vector.broadcast %div3A_3 : f32 to vector<1x128xf32>
    %add3A_160 = arith.addf %dot_general3A_158, %add3A_159 : vector<1x128xf32>
    %swap3A_161 = arith.constant 15 : index
    %swap3A_162 = arith.constant 0 : index
    %swap3A_163 = vector.load %arg4[%swap3A_161, %swap3A_162] : memref<16x128xf32, #tpu.memory_space<vmem>>, vector<1x128xf32>
    tpu.vector_store %arg4[%swap3A_161, %swap3A_162], %add3A_160 {strides = array<i32>} : memref<16x128xf32, #tpu.memory_space<vmem>>, vector<1x128xf32>,
    return
  }
  func.func @transform_0(%arg0: i32) -> (i32, i32) {
    %c0_i32 = arith.constant 0 : i32
    %c0_i32_0 = arith.constant 0 : i32
    return %arg0, %c0_i32 : i32, i32
  }
  func.func @transform_1(%arg0: i32) -> (i32, i32) {
    %c0_i32 = arith.constant 0 : i32
    %c0_i32_0 = arith.constant 0 : i32
    %c0_i32_1 = arith.constant 0 : i32
    return %c0_i32, %c0_i32_0 : i32, i32
  }
  func.func @transform_2(%arg0: i32) -> (i32, i32) {
    %c0_i32 = arith.constant 0 : i32
    %c0_i32_0 = arith.constant 0 : i32
    %c0_i32_1 = arith.constant 0 : i32
    return %c0_i32, %c0_i32_0 : i32, i32
  }
  func.func @transform_3(%arg0: i32) -> (i32, i32) {
    %c0_i32 = arith.constant 0 : i32
    %c0_i32_0 = arith.constant 0 : i32
    return %arg0, %c0_i32 : i32, i32
  }
}

</mosaic_0001>

<sc_bundles>
// kernel: kernel.4.cloned.1.call-start
scs
__scs_entry_jumppad:
0x0: {  	(pc) =	sbr.rel $0x88, $3  }
0x1: {  	(tag) =	ssettag $0x0;
	lr =	simm.s32 $0x1  }
0x2: {  	[smem:$0x3F9D] =	sst lr;
	_ =	strace $0xD0000000  }
0x3: {  	_ = 	snop  }
0x4: {  	_ = 	snop  }
0x5: {  	_ = 	snop  }
0x6: {  	_ = 	snop  }
0x7: {  	_ = 	snop  }
__scs_overlays_trampoline_lowered:
0x8: {  	[smem:$0x3FAC] =	sst s0  }
0x9: {  	[smem:$0x3FAD] =	sst s1  }
0xa: {  	[smem:$0x3FAE] =	sst s2  }
0xb: {  	[smem:$0x3FAF] =	sst s3  }
0xc: {  	[smem:$0x3FB0] =	sst s4  }
0xd: {  	[smem:$0x3FB1] =	sst s5  }
0xe: {  	[smem:$0x3FB2] =	sst s6  }
0xf: {  	[smem:$0x3FB3] =	sst s7  }
0x10: {  	[smem:$0x3FB4] =	sst s8  }
0x11: {  	[smem:$0x3FB5] =	sst s9;
	s0 =	simm.s32 @!p0 $0x0  }
0x12: {  	s1 =	sld [smem:$0x3F9B];
	s0 =	simm.s32 @p0 $0x1  }
0x13: {  	[smem:$0x3FB6] =	sst s0;
	s0 =	simm.s32 @!p1 $0x0  }
0x14: {  	s2 =	sld [smem:$0x3F9A];
	s0 =	simm.s32 @p1 $0x1  }
0x15: {  	[smem:$0x3FB7] =	sst s0;
	s0 =	simm.s32 @!p2 $0x0  }
0x16: {  	s3 =	sld [smem:$0x3FDB];
	s0 =	simm.s32 @p2 $0x1  }
0x17: {  	s4 =	simm.s32 $0x1BF5;
	[smem:$0x3FB9] =	sst s0  }
0x18: {  	s0 =	sld [smem:$0x3F9C];
	_ =	swait.ge [sflag:s4], $0x0  }
0x19: {  	s7 =	sld [smem:$0x3F9D]  }
0x1a: {  	s8 =	sadd.s32 $0xFFFFE003, lr  }
0x1b: {  	s9 =	sadd.s32 $0xFFFFFEF7, lr;
	s5 =	simm.s32 $0xFFFFFFFF;
	p2 =	slt.u32 s8, $0xFFFFF086  }
0x1c: {  	p1 =	slt.u32 s9, $0xF7A;
	s5 =	simm.s32 @!p2 $0x0  }
0x1d: {  	s5 =	simm.s32 @p1 $0x1;
	p0 =	seq.s32 s7, s2  }
0x1e: {  	s7 =	smul.u32 @!p0 $0xF7A, s2;
	p2 =	seq.s32 @!p0 s5, $0x0  }
0x1f: {  	s9 =	smul.u32 $0xF7A, s1;
	s8 =	simm.s32 @!p0 $0x1BF5;
	p2 =	por !p2, p0  }
0x20: {  	[sflag:s8] =	ssyncset.s32 @!p0 $0xFFFFF086;
	s6 =	sadd.s32 @!p0 s3, s7;
	s7 =	simm.s32 @!p0 $0x108  }
0x21: {  	s3 =	sadd.s32 s3, s9;
	s6 =	sadd.s32 @!p0 $0x88, s6;
	s7 =	simm.s32 @p2 $0x1082  }
0x22: {  	[simem:s7], [sflag:s8] =	dma.local @!p0 [hbm:s6], $0xF7A  }
0x23: {  	s9 =	sor.u32 $0xD0000000, s2;
	s6 =	simm.s32 $0x108;
	_ =	swait.ge @!p0 [sflag:s8], $0x0  }
0x24: {  	s3 =	sadd.s32 $0x88, s3;
	s6 =	simm.s32 @!p1 $0x1082;
	[sflag:s4] =	ssyncset.s32 $0xFFFFF086  }
0x25: {  	[simem:s6], [sflag:s4] =	dma.local [hbm:s3], $0xF7A  }
0x26: {  	[smem:$0x3F9D] =	sst s1;
	(tag) =	ssettag s2;
	_ =	strace s9  }
0x27: {  	s1 =	sld [smem:$0x3FAD]  }
0x28: {  	s2 =	sld [smem:$0x3FAE]  }
0x29: {  	s4 =	sld [smem:$0x3FB0]  }
0x2a: {  	p0 =	seq.s32 s5, $0x0;
	s5 =	sld [smem:$0x3FB1]  }
0x2b: {  	s6 =	sld [smem:$0x3FB2]  }
0x2c: {  	s7 =	sld [smem:$0x3FB3]  }
0x2d: {  	s3 =	simm.s32 $0x108;
	s8 =	sld [smem:$0x3FB4]  }
0x2e: {  	s3 =	simm.s32 @!p0 $0x1082;
	s9 =	sld [smem:$0x3FB5]  }
0x2f: {  	lr =	sadd.s32 s0, s3;
	s0 =	sld [smem:$0x3FAC]  }
0x30: {  	s3 =	sld [smem:$0x3FAF]  }
0x31: {  	[smem:$0x3FB8] =	sst s10  }
0x32: {  	s10 =	sld [smem:$0x3FB6];
	_ =	sdelay $0x3  }
0x33: {  	p0 =	seq.s32 s10, $0x1;
	s10 =	sld [smem:$0x3FB8];
	_ =	sdelay $0x3  }
0x34: {  	[smem:$0x3FB8] =	sst s10  }
0x35: {  	s10 =	sld [smem:$0x3FB7];
	_ =	sdelay $0x3  }
0x36: {  	p1 =	seq.s32 s10, $0x1;
	s10 =	sld [smem:$0x3FB8];
	_ =	sdelay $0x3  }
0x37: {  	[smem:$0x3FB8] =	sst s10  }
0x38: {  	s10 =	sld [smem:$0x3FB9]  }
0x39: {  	_ = 	snop;
	(pc) =	sbr.ind lr, $3  }
0x3a: {  	_ = 	snop  }
0x3b: {  	_ = 	snop  }
0x3c: {  	p2 =	seq.s32 s10, $0x1;
	s10 =	sld [smem:$0x3FB8]  }
0x3d: {  	_ =	shalt  }
0x3e: {  	_ =	shalt  }
0x3f: {  	_ =	shalt  }
0x40: {  	_ =	shalt  }
0x41: {  	_ =	shalt  }
0x42: {  	_ =	shalt  }
0x43: {  	_ =	shalt  }
0x44: {  	_ =	shalt  }
0x45: {  	_ =	shalt  }
0x46: {  	_ =	shalt  }
0x47: {  	_ =	shalt  }
0x48: {  	_ =	shalt  }
0x49: {  	_ =	shalt  }
0x4a: {  	_ =	shalt  }
0x4b: {  	_ =	shalt  }
0x4c: {  	_ =	shalt  }
0x4d: {  	_ =	shalt  }
0x4e: {  	_ =	shalt  }
0x4f: {  	_ =	shalt  }
0x50: {  	_ =	shalt  }
0x51: {  	_ =	shalt  }
0x52: {  	_ =	shalt  }
0x53: {  	_ =	shalt  }
0x54: {  	_ =	shalt  }
0x55: {  	_ =	shalt  }
0x56: {  	_ =	shalt  }
0x57: {  	_ =	shalt  }
0x58: {  	_ =	shalt  }
0x59: {  	_ =	shalt  }
0x5a: {  	_ =	shalt  }
0x5b: {  	_ =	shalt  }
0x5c: {  	_ =	shalt  }
0x5d: {  	_ =	shalt  }
0x5e: {  	_ =	shalt  }
0x5f: {  	_ =	shalt  }
0x60: {  	_ =	shalt  }
0x61: {  	_ =	shalt  }
0x62: {  	_ =	shalt  }
0x63: {  	_ =	shalt  }
0x64: {  	_ =	shalt  }
0x65: {  	_ =	shalt  }
0x66: {  	_ =	shalt  }
0x67: {  	_ =	shalt  }
0x68: {  	_ =	shalt  }
0x69: {  	_ =	shalt  }
0x6a: {  	_ =	shalt  }
0x6b: {  	_ =	shalt  }
0x6c: {  	_ =	shalt  }
0x6d: {  	_ =	shalt  }
0x6e: {  	_ =	shalt  }
0x6f: {  	_ =	shalt  }
0x70: {  	_ =	shalt  }
0x71: {  	_ =	shalt  }
0x72: {  	_ =	shalt  }
0x73: {  	_ =	shalt  }
0x74: {  	_ =	shalt  }
0x75: {  	_ =	shalt  }
0x76: {  	_ =	shalt  }
0x77: {  	_ =	shalt  }
0x78: {  	_ =	shalt  }
0x79: {  	_ =	shalt  }
0x7a: {  	_ =	shalt  }
0x7b: {  	_ =	shalt  }
0x7c: {  	_ =	shalt  }
0x7d: {  	_ =	shalt  }
0x7e: {  	_ =	shalt  }
0x7f: {  	_ =	shalt  }
0x80: {  	_ =	shalt  }
0x81: {  	_ =	shalt  }
0x82: {  	_ =	shalt  }
0x83: {  	_ =	shalt  }
0x84: {  	_ =	shalt  }
0x85: {  	_ =	shalt  }
0x86: {  	_ =	shalt  }
0x87: {  	_ =	shalt  }
.Lfunc_end0:
.L_simem_size_0:
called_computation_lowered:
.L_overlay_start_0:
0x88: {  	s2 =	sld [smem:$0x3FD9]  }
0x89: {  	s3 =	sld [smem:$0x3FFE];
	_ =	sdelay $0x1  }
0x8a: {  	s1 =	srdreg.scid  }
0x8b: {  	s0 =	sand.u32 $0x1, s1  }
0x8c: {  	s17 =	sshll.u32 s0, $0xA;
	s2 =	sadd.s32 s3, s2  }
0x8d: {  	s2 =	sadd.s32 s2, s17  }
0x8e: {  	[smem:$0x3FC4] =	sst s2  }
0x8f: {  	_ = 	snop  }
0x90: {  	s2 =	sld [smem:$0x3FD0];
	(tm) =	ssettm $0x1  }
0x91: {  	s18 =	sld [smem:$0x3FFB];
	_ =	sdelay $0x3  }
0x92: {  	_ =	strace s18  }
0x93: {  	s3 =	sld [smem:$0x3FFC];
	_ =	sdelay $0x3  }
0x94: {  	_ =	strace s3  }
0x95: {  	s3 =	sld [smem:$0x3FFD];
	_ =	sdelay $0x3  }
0x96: {  	_ =	strace s3  }
0x97: {  	_ =	strace $0x8FFFFFFF  }
0x98: {  	s19 =	sld [smem:$0x3FDB];
	_ =	sdelay $0x1  }
0x99: {  	s4 =	simm.s32 $_scs_section_size  }
0x9a: {  	s5 =	simm.s32 $_size__tile_overlayer_lowered;
	s6 =	simm.s32 $_tile_overlayer_lowered  }
0x9b: {  	s22 =	simm.s32 $0x1BFF;
	s21 =	sshll.u32 s6, $0x1;
	s3 =	sadd.s32 s4, s19  }
0x9c: {  	s7 =	simm.s32 $0x0;
	s20 =	sshll.u32 s5, $0x1;
	s5 =	sadd.s32 s21, s3  }
0x9d: {  	[timem:s7], [sflag:s22] =	dma.local [hbm:s5], s20  }
0x9e: {  	_ =	swait.ge [sflag:s22], s20  }
0x9f: {  	s4 =	ssub.s32 $0x0, s20;
	[sflag:s22] =	ssyncset.done $0x0  }
0xa0: {  	[sflag:s22] =	ssyncadd.s32 s4;
	_ =	sdelay $0x1  }
0xa1: {  	s23 =	simm.s32 $0x1B8B  }
0xa2: {  	_ =	swait.ge [sflag:s23], $0x1  }
0xa3: {  	[sflag:s23] =	ssyncset.done $0x0  }
0xa4: {  	s25 =	simm.s32 $0x1B8E;
	s24 =	sld [smem:$0x3FFE];
	[sflag:s23] =	ssyncadd.s32 $0xFFFFFFFF  }
0xa5: {  	s26 =	simm.s32 $execute0_lowered;
	[smem:$0x3FD2] =	sst s25  }
0xa6: {  	s5 =	sshll.u32 s26, $0x1;
	_ =	strace $0x80000046;
	[dreg:$0x1] =	wrdreg $0xFFFFFFFF  }
0xa7: {  	s28 =	simm.s32 $_size_execute0_lowered;
	s3 =	sadd.s32 s3, s5;
	[dreg:$0x0] =	wrdreg $0x0  }
0xa8: {  	s5 =	sshll.u32 s28, $0x1;
	[dreg:$0x2] =	wrdreg s3  }
0xa9: {  	[dreg:$0x3] =	wrdreg s5  }
0xaa: {  	[dreg:$0x4] =	wrdreg $0xC0  }
0xab: {  	_ =	task [dreg:s7], $0x5FFFF  }
0xac: {  	[dreg:$0x1] =	wrdreg $0xFFFFFFFF  }
0xad: {  	[dreg:$0x0] =	wrdreg $0x60  }
0xae: {  	[dreg:$0x2] =	wrdreg s24  }
0xaf: {  	[dreg:$0x3] =	wrdreg s2  }
0xb0: {  	[dreg:$0x4] =	wrdreg $0x9  }
0xb1: {  	_ =	task.clear_ibuf [dreg:s7], $0x5FFFF;
	_ =	strace $0x90000046  }
0xb2: {  	s29 =	simm.s32 $0x9;
	_ =	strace $0x80000048  }
0xb3: {  	_ =	swait.ge [sflag:s29], $0x1  }
0xb4: {  	[sflag:s29] =	ssyncadd.s32 $0xFFFFFFFF  }
0xb5: {  	_ =	strace $0x90000048  }
0xb6: {  	_ =	sfence  }
0xb7: {  	s30 =	sld [smem:$0x0];
	_ =	sdelay $0x2  }
0xb8: {  	s31 =	sshll.u32 s1, $0xD;
	s1 =	sshrl.u32 s1, $0x2  }
0xb9: {  	s3 =	sand.u32 $0x4000, s31;
	s1 =	sadd.s32 s1, s30  }
0xba: {  	s0 =	sor.u32 s3, s0;
	s1 =	sshll.u32 s1, $0x11  }
0xbb: {  	s0 =	sor.u32 s1, s0  }
0xbc: {  	s0 =	sadd.s32 $0x8F2B, s0  }
0xbd: {  	[sflag:s0] =	ssyncadd.remote.s32 $0x1  }
0xbe: {  	_ =	sfence.sel $0xFFFF  }
0xbf: {  	[dreg:$0x0] =	wrdreg $0xFFFFFFFF;
	(pc) =	sbr.abs _section_cstart, $3  }
0xc0: {  	[dreg:$0x1] =	wrdreg $0xFFFFFFFF  }
0xc1: {  	_ =	task.clear_ibuf [dreg:s7], $0x2FFFF;
	_ =	strace $0x9FFFFFFF  }
0xc2: {  	(tm) =	ssettm $0x7FFFFFFF  }
0xc3: {  	_ =	shalt  }
tec
execute0_lowered:
.L_overlay_start_1:
0x0: {  	(tag) =	ssettag $0x1  }
0x1: {  	s1 =	srdreg.scid;
	s4 =	rddreg [dreg:$0x0]  }
0x2: {  	s0 =	stileid.u32;
	s7 =	rddreg [dreg:$0x1];
	s2 =	simm.s32 $0x0  }
0x3: {  	s12 =	simm.s32 $0x1;
	s13 =	simm.s32 $0x2880;
	s14 =	simm.s32 $0x0  }
0x4: {  	s5 =	sand.u32 $0x1, s1;
	s31 =	sshll.u32 s0, $0x1;
	[smem:$0x7FF] =	sst s2  }
0x5: {  	s1 =	rddreg [dreg:$0x2];
	s6 =	sor.u32 s5, s31;
	_ =	strace $0x80000047  }
0x6: {  	s10 =	ssub.s32 $0x2, s5;
	s5 =	simm.s32 $0x13;
	s3 =	smul.u32 $0x13, s6  }
0x7: {  	s8 =	smin.u32 s6, $0x11;
	s11 =	sshrl.u32 s10, $0x1;
	p0 =	sgt.u32 s6, $0x10  }
.Ltmp0:
0x8: {  	s10 =	ssub.s32 s10, s11;
	s8 =	sadd.s32 s8, s3;
	(pc) =	sbr.rel .LBB2_1-.Ltmp0, $4  }
0x9: {  	s5 =	simm.s32 @!p0 $0x14;
	s11 =	simm.s32 $0x8;
	s9 =	sshll.u32 s8, $0x5  }
0xa: {  	s3 =	sadd.s32 $0x5A00, s4;
	s8 =	sshll.u32 s8, $0x1;
	s9 =	sadd.s32 s9, s4  }
0xb: {  	v0 =	vlaneseq.u32;
	s4 =	sadd.s32 $0x6000, s4;
	s7 =	sadd.s32 s7, s8;
	s8 =	smax.u32 s10, $0x1  }
0xc: {  	v0 =	vmul.u32 $0x10, v0;
	s10 =	simm.s32 $0x2;
	s6 =	sadd.s32 $0xA00, s9;
	s9 =	simm.s32 $0x3E00  }
.LBB2_5:
0xd: {  	s15 =	simm.s32 @p0 $0x0;
	s16 =	simm.s32 @p0 $0x3C80  }
0xe: {  	[hbm4b:s7+s15] =	stream.linear.scatter @p0 [tilespmem:s16], [sflag:$0x2], $0x130, $0x38;
	[tilespmem:$0x3E80] =	vst v63  }
0xf: {  	s15 =	simm.s32 @p0 $0x2  }
0x10: {  	_ =	swait.ge @p0 [sflag:s15], $0x130  }
0x11: {  	s14 =	sadd.s32 $0x1, s14;
	s16 =	simm.s32 @!p0 $0x3C80;
	[sflag:s15] =	ssyncset.done @p0 $0x0  }
0x12: {  	p1 =	sne.s32 s14, s8;
	[sflag:s15] =	ssyncadd.s32 @p0 $0xFFFFFED0;
	s15 =	simm.s32 @!p0 $0x0  }
0x13: {  	[hbm4b:s7+s15] =	stream.linear.scatter @!p0 [tilespmem:s16], [sflag:$0x2], $0x140, $0x38;
	[tilespmem:$0x3E80] =	vst v63  }
.Ltmp1:
0x14: {  	_ = 	snop;
	(pc) =	sbr.rel @!p1 .LBB2_6-.Ltmp1, $4  }
0x15: {  	s15 =	simm.s32 @!p0 $0x2  }
0x16: {  	_ =	swait.ge @!p0 [sflag:s15], $0x140  }
0x17: {  	[sflag:s15] =	ssyncset.done @!p0 $0x0  }
0x18: {  	[sflag:s15] =	ssyncadd.s32 @!p0 $0xFFFFFEC0  }
.LBB2_1:
0x19: {  	[tilespmem:s9], [sflag:$0x2] =	stream.linear.gather [hbm4b:s4+s2], $0x80, $0x38;
	[tilespmem:$0x3E80] =	vst v63  }
0x1a: {  	_ =	swait.ge [sflag:s10], $0x80  }
0x1b: {  	[sflag:s10] =	ssyncset.done $0x0  }
0x1c: {  	[sflag:s10] =	ssyncadd.s32 $0xFFFFFF80  }
0x1d: {  	v1 =	vld [tilespmem:$0x3E00];
	_ =	sdelay $0x4  }
0x1e: {  	v1 =	vmul.f32 $6.250000000e-02, v1;
	_ =	sdelay $0x1  }
0x1f: {  	[tilespmem:$0x0] =	vst v1  }
0x20: {  	[tilespmem:s11], [sflag:$0x1] =	stream.linear.gather [hbm4b:s3+s2], $0x2800, $0x38;
	[tilespmem:$0x3E80] =	vst v63  }
0x21: {  	s15 =	simm.s32 @p0 $0x0;
	s16 =	simm.s32 @p0 $0x2880  }
0x22: {  	[tilespmem:s16], [sflag:$0x1] =	stream.linear.gather @p0 [hbm4b:s6+s15], $0x1300, $0x38;
	[tilespmem:$0x3E80] =	vst v63  }
0x23: {  	s15 =	simm.s32 @p0 $0x1  }
0x24: {  	_ =	swait.ge @p0 [sflag:s15], $0x1300  }
0x25: {  	[sflag:s15] =	ssyncset.done @p0 $0x0  }
0x26: {  	s16 =	simm.s32 @!p0 $0x2880;
	[sflag:s15] =	ssyncadd.s32 @p0 $0xFFFFED00;
	s15 =	simm.s32 @!p0 $0x0  }
0x27: {  	[tilespmem:s16], [sflag:$0x1] =	stream.linear.gather @!p0 [hbm4b:s6+s15], $0x1400, $0x38;
	[tilespmem:$0x3E80] =	vst v63  }
0x28: {  	s15 =	simm.s32 @!p0 $0x1  }
0x29: {  	_ =	swait.ge @!p0 [sflag:s15], $0x1400  }
.Ltmp2:
0x2a: {  	[sflag:s15] =	ssyncset.done @!p0 $0x0;
	(pc) =	sbr.rel .LBB2_2-.Ltmp2, $4  }
0x2b: {  	[sflag:s15] =	ssyncadd.s32 @!p0 $0xFFFFEC00  }
0x2c: {  	_ =	swait.ge [sflag:s12], $0x2800  }
0x2d: {  	s17 =	simm.s32 $0x0;
	[sflag:s12] =	ssyncset.done $0x0  }
0x2e: {  	s16 =	simm.s32 $0x3C80;
	s15 =	simm.s32 $0xF;
	[sflag:s12] =	ssyncadd.s32 $0xFFFFD800  }
.LBB2_4:
0x2f: {  	s15 =	sadd.s32 $0x100, s15  }
0x30: {  	p1 =	sne.s32 s15, $0x140F  }
.Ltmp3:
0x31: {  	_ = 	snop;
	(pc) =	sbr.rel @!p1 .LBB2_5-.Ltmp3, $2  }
0x32: {  	_ =	sdelay $0x2  }
0x33: {  	s17 =	sadd.s32 $0x1, s17;
	s16 =	sadd.s32 $0x10, s16  }
.LBB2_2:
0x34: {  	p1 =	sge.u32 s17, s5  }
.Ltmp4:
0x35: {  	_ = 	snop;
	(pc) =	sbr.rel @p1 .LBB2_4-.Ltmp4, $1  }
0x36: {  	_ =	sdelay $0x3  }
0x37: {  	s18 =	sadd.s32 $0xFFFFFFF1, s15;
	v16 =	vor.u32 s15, v0  }
0x38: {  	s30 =	sadd.s32 $0xFFFFFFF2, s15;
	v1 =	vor.u32 s18, v0  }
0x39: {  	s31 =	sadd.s32 $0xFFFFFFF3, s15;
	v2 =	vor.u32 s30, v0  }
0x3a: {  	s19 =	sadd.s32 $0xFFFFFFF4, s15;
	v3 =	vor.u32 s31, v0  }
0x3b: {  	s20 =	sadd.s32 $0xFFFFFFF5, s15;
	v4 =	vor.u32 s19, v0  }
0x3c: {  	s21 =	sadd.s32 $0xFFFFFFF6, s15;
	v5 =	vor.u32 s20, v0;
	v16 =	vld.idx.msk [tilespmem:v16+s13+$0x0], $0xffff  }
0x3d: {  	s22 =	sadd.s32 $0xFFFFFFF7, s15;
	v6 =	vor.u32 s21, v0;
	v1 =	vld.idx.msk [tilespmem:v1+s13+$0x0], $0xffff  }
0x3e: {  	s23 =	sadd.s32 $0xFFFFFFF8, s15;
	v7 =	vor.u32 s22, v0;
	v2 =	vld.idx.msk [tilespmem:v2+s13+$0x0], $0xffff  }
0x3f: {  	s24 =	sadd.s32 $0xFFFFFFF9, s15;
	v8 =	vor.u32 s23, v0;
	v3 =	vld.idx.msk [tilespmem:v3+s13+$0x0], $0xffff  }
0x40: {  	s25 =	sadd.s32 $0xFFFFFFFA, s15;
	v9 =	vor.u32 s24, v0;
	v4 =	vld.idx.msk [tilespmem:v4+s13+$0x0], $0xffff  }
0x41: {  	s26 =	sadd.s32 $0xFFFFFFFB, s15;
	v10 =	vor.u32 s25, v0;
	v5 =	vld.idx.msk [tilespmem:v5+s13+$0x0], $0xffff  }
0x42: {  	s28 =	sadd.s32 $0xFFFFFFFC, s15;
	v11 =	vor.u32 s26, v0;
	v6 =	vld.idx.msk [tilespmem:v6+s13+$0x0], $0xffff  }
0x43: {  	s29 =	sadd.s32 $0xFFFFFFFD, s15;
	v12 =	vor.u32 s28, v0;
	v7 =	vld.idx.msk [tilespmem:v7+s13+$0x0], $0xffff  }
0x44: {  	v13 =	vor.u32 s29, v0;
	s30 =	sadd.s32 $0xFFFFFFFE, s15;
	v8 =	vld.idx.msk [tilespmem:v8+s13+$0x0], $0xffff  }
0x45: {  	s31 =	sadd.s32 $0xFFFFFFFF, s15;
	v14 =	vor.u32 s30, v0;
	v9 =	vld.idx.msk [tilespmem:v9+s13+$0x0], $0xffff  }
0x46: {  	v15 =	vor.u32 s31, v0;
	v10 =	vld.idx.msk [tilespmem:v10+s13+$0x0], $0xffff  }
0x47: {  	v11 =	vld.idx.msk [tilespmem:v11+s13+$0x0], $0xffff;
	v1 =	vadd.s32 $0x7, v1  }
0x48: {  	v12 =	vld.idx.msk [tilespmem:v12+s13+$0x0], $0xffff;
	v2 =	vadd.s32 $0x7, v2  }
0x49: {  	v13 =	vld.idx.msk [tilespmem:v13+s13+$0x0], $0xffff;
	v3 =	vadd.s32 $0x7, v3  }
0x4a: {  	v14 =	vld.idx.msk [tilespmem:v14+s13+$0x0], $0xffff;
	v4 =	vadd.s32 $0x7, v4  }
0x4b: {  	v15 =	vld.idx.msk [tilespmem:v15+s13+$0x0], $0xffff;
	v5 =	vadd.s32 $0x7, v5  }
0x4c: {  	v6 =	vadd.s32 $0x7, v6;
	v1 =	vld.idx.msk [tilespmem:v1+s2+$0x0], $0xffff  }
0x4d: {  	v7 =	vadd.s32 $0x7, v7;
	v2 =	vld.idx.msk [tilespmem:v2+s2+$0x0], $0xffff  }
0x4e: {  	v8 =	vadd.s32 $0x7, v8;
	v3 =	vld.idx.msk [tilespmem:v3+s2+$0x0], $0xffff  }
0x4f: {  	v10 =	vadd.s32 $0x7, v10;
	v4 =	vld.idx.msk [tilespmem:v4+s2+$0x0], $0xffff  }
0x50: {  	v9 =	vadd.s32 $0x7, v9;
	v5 =	vld.idx.msk [tilespmem:v5+s2+$0x0], $0xffff  }
0x51: {  	v11 =	vadd.s32 $0x7, v11;
	v6 =	vld.idx.msk [tilespmem:v6+s2+$0x0], $0xffff  }
0x52: {  	v12 =	vadd.s32 $0x7, v12;
	v7 =	vld.idx.msk [tilespmem:v7+s2+$0x0], $0xffff;
	v1 =	vadd.f32 $0.0e+00, v1;
	v2 =	vadd.f32 $0.0e+00, v2  }
0x53: {  	v13 =	vadd.s32 $0x7, v13;
	v8 =	vld.idx.msk [tilespmem:v8+s2+$0x0], $0xffff  }
0x54: {  	v57 =	vadd.s32 $0x7, v14;
	v58 =	vld.idx.msk [tilespmem:v10+s2+$0x0], $0xffff;
	v1 =	vadd.f32 v3, v1;
	v2 =	vadd.f32 v4, v2  }
0x55: {  	v61 =	vadd.s32 $0x7, v16;
	v3 =	vld.idx.msk [tilespmem:v9+s2+$0x0], $0xffff  }
0x56: {  	v59 =	vadd.s32 $0x7, v15;
	v60 =	vld.idx.msk [tilespmem:v11+s2+$0x0], $0xffff;
	v1 =	vadd.f32 v5, v1;
	v2 =	vadd.f32 v6, v2  }
0x57: {  	v62 =	vld.idx.msk [tilespmem:v12+s2+$0x0], $0xffff  }
0x58: {  	v63 =	vld.idx.msk [tilespmem:v13+s2+$0x0], $0xffff;
	v1 =	vadd.f32 v7, v1;
	v2 =	vadd.f32 v8, v2  }
0x59: {  	v4 =	vld.idx.msk [tilespmem:v57+s2+$0x0], $0xffff  }
0x5a: {  	v6 =	vld.idx.msk [tilespmem:v61+s2+$0x0], $0xffff;
	v1 =	vadd.f32 v3, v1;
	v2 =	vadd.f32 v58, v2  }
0x5b: {  	v3 =	vld.idx.msk [tilespmem:v59+s2+$0x0], $0xffff  }
0x5c: {  	v1 =	vadd.f32 v60, v1;
	v2 =	vadd.f32 v62, v2;
	_ =	sdelay $0x1  }
0x5d: {  	v1 =	vadd.f32 v63, v1;
	v2 =	vadd.f32 v4, v2;
	_ =	sdelay $0x1  }
0x5e: {  	v1 =	vadd.f32 v3, v1;
	v2 =	vadd.f32 v6, v2  }
.Ltmp5:
0x5f: {  	_ = 	snop;
	(pc) =	sbr.rel .LBB2_4-.Ltmp5, $3  }
0x60: {  	v1 =	vadd.f32 v2, v1;
	_ =	sdelay $0x1  }
0x61: {  	v1 =	vmax.f32 v1, $0.0e+00  }
0x62: {  	[tilespmem:s16+$0x0] =	vst v1  }
.LBB2_6:
0x63: {  	_ =	sfence.sel $0x180000  }
0x64: {  	[bflag:$0x0] =	sbarrier.arrive $0xFFFF  }
0x65: {  	p0 =	sne.s32 s0, $0x0;
	_ =	strace $0x90000047  }
0x66: {  	s0 =	sadd.s32 @!p0 $0x100000, s1;
	[bflag:$0x2] =	sbarrier.arrive $0xFFFF  }
0x67: {  	[sflag:s0] =	ssyncadd.tile.s32 @!p0 $0x1;
	_ =	shalt  }
.Lfunc_end2:
_tile_overlayer_lowered:
.L_overlay_start_2:
0x68: {  	(tag) =	ssettag $0x2  }
0x69: {  	s0 =	rddreg [dreg:$0x0];
	s2 =	stileid.u32  }
0x6a: {  	s1 =	rddreg [dreg:$0x1];
	p0 =	sne.s32 s2, $0x0  }
0x6b: {  	s3 =	rddreg [dreg:$0x2];
	[bflag:$0x3] =	sbarrier.arrive $0xFFFF;
	s2 =	simm.s32 @!p0 $0x1C02  }
0x6c: {  	[timem:s3], [sflag:s2] =	dma.local @!p0 [hbm:s0], s1  }
0x6d: {  	s0 =	simm.s32 @!p0 $0x2  }
0x6e: {  	_ =	swait.ge @!p0 [sflag:s0], s1  }
0x6f: {  	s1 =	ssub.s32 @!p0 $0x0, s1;
	[sflag:s0] =	ssyncset.done @!p0 $0x0  }
0x70: {  	[sflag:s0] =	ssyncadd.s32 @!p0 s1  }
0x71: {  	[bflag:$0x3] =	sbarrier.arrive $0xFFFF  }
0x72: {  	_ =	shalt  }

</sc_bundles>
